<compile_context>
chip_gen: v7x
topology: tpu7x:2x2x1
jax: 0.10.2.dev20260603
libtpu: 0.0.44.dev20260713+nightly
codegen_flags: <defaults>
</compile_context>

<pallas_src>
import functools

import jax
import jax.numpy as jnp
from jax import lax
from jax.experimental import pallas as pl
from jax.experimental.pallas import tpu as pltpu
from jax.experimental.pallas import tpu_sc as plsc

NC = 2
NS = 16
NW = NC * NS

B, L = 4096, 50
D = 128
TOTAL = B * L
PER_W = TOTAL // NW
CHUNK = 128
NCHUNK = PER_W // CHUNK
NBUF = 6
GAHEAD = 5
WLAG = NBUF - GAHEAD

_mesh = plsc.VectorSubcoreMesh(
    core_axis_name="c", subcore_axis_name="s", num_cores=NC, num_subcores=NS
)


@functools.partial(
    pl.kernel,
    out_type=jax.ShapeDtypeStruct((B, L * D), jnp.float32),
    mesh=_mesh,
    compiler_params=pltpu.CompilerParams(use_tc_tiling_on_sc=True),
    scratch_types=[
        pltpu.VMEM((NCHUNK, CHUNK), jnp.int32),
        pltpu.VMEM((NBUF, CHUNK, D), jnp.float32),
        tuple(pltpu.SemaphoreType.DMA for _ in range(NBUF)),
        tuple(pltpu.SemaphoreType.DMA for _ in range(NBUF)),
    ],
)
def _gather_kernel(ids_hbm, table_hbm, out_hbm, idx_v, bufs, gsem, wsem):
    wid = lax.axis_index("s") * NC + lax.axis_index("c")
    row_base = wid * (B // NW)
    pltpu.sync_copy(ids_hbm.at[pl.ds(0, GAHEAD), wid], idx_v.at[pl.ds(0, GAHEAD)])

    def out_window(j):
        return out_hbm.at[pl.ds(row_base, CHUNK), pl.ds(D * j, D)]

    def fire_gather(j, s):
        pltpu.async_copy(table_hbm.at[idx_v.at[j]], bufs.at[s], gsem[s])

    def drain_gather(j, s):
        pltpu.make_async_copy(table_hbm.at[idx_v.at[j]], bufs.at[s], gsem[s]).wait()

    def fire_wb(j, s):
        pltpu.async_copy(bufs.at[s], out_window(j), wsem[s])

    def drain_wb(j, s):
        pltpu.make_async_copy(bufs.at[s], out_window(j), wsem[s]).wait()

    def step(j, s, drain_prev=True, fire_next=True):
        drain_gather(j, s)
        fire_wb(j, s)
        if drain_prev:
            drain_wb(j - WLAG, (s + GAHEAD) % NBUF)
        if fire_next:

            @pl.when(j + GAHEAD < NCHUNK)
            def _():
                fire_gather(j + GAHEAD, (s + GAHEAD) % NBUF)

    for s in range(GAHEAD):
        fire_gather(s, s)
    pltpu.sync_copy(
        ids_hbm.at[pl.ds(GAHEAD, NCHUNK - GAHEAD), wid],
        idx_v.at[pl.ds(GAHEAD, NCHUNK - GAHEAD)],
    )
    for j in range(2):
        step(j, j, drain_prev=(j >= WLAG))

    def block(bb, carry):
        j0 = NBUF * bb + 2
        for k in range(NBUF):
            step(j0 + k, (2 + k) % NBUF)
        return carry

    lax.fori_loop(0, (NCHUNK - 2) // NBUF, block, 0)

    for j in range(NCHUNK - WLAG, NCHUNK):
        drain_wb(j, j % NBUF)


def kernel(node_ids, node_features):
    ids = node_ids.T.reshape(L, NW, CHUNK)
    return _gather_kernel(ids, node_features)

# --- scband reference (transcript-rebuilt; emitter-appended) ---
"""Pipeline reference for scband-embedding-lookup-51393578664368 (READ-ONLY COPY).

The authoritative reference and input builder live on the scoring server;
editing this copy changes nothing except your own understanding.
"""

import jax, jax.numpy as jnp
import numpy as np


def setup_inputs(seed: int = 0) -> dict:
    key = jax.random.key(seed)
    k1, k2 = jax.random.split(key)
    node_ids = jax.random.randint(k1, (4096, 50), 0, 100000, dtype=jnp.int64 if jax.config.jax_enable_x64 else jnp.int32).astype(jnp.int32)
    node_features = jax.random.normal(k2, (100000, 128), dtype=jnp.float32)
    return {"node_ids": node_ids, "node_features": node_features}


def reference(node_ids, node_features):
    # tf.nn.embedding_lookup(node_features, ids=node_ids) -> [B, L, D]
    gathered = jnp.take(node_features, node_ids, axis=0)
    # Keras Flatten: collapse all non-batch dims -> [B, L*D]
    B = gathered.shape[0]
    return gathered.reshape(B, -1)

if __name__ == "__main__":
    import jax
    _d = setup_inputs()
    print(jax.jit(kernel)(*tuple(_d.values())))

</pallas_src>

<mosaic_0001>
#map = affine_map<(d0, d1) -> (0, 0, 0)>
#map1 = affine_map<(d0, d1) -> (0, 0)>
module attributes {stable_mosaic.version = 14 : i64} {
  func.func @_gather_kernel(%arg0: i32, %arg1: i32, %arg2: memref<50x32x128xi32, #tpu.memory_space<hbm>>, %arg3: memref<100000x128xf32, #tpu.memory_space<hbm>>, %arg4: memref<4096x6400xf32, #tpu.memory_space<hbm>>, %arg5: memref<50x128xi32, #tpu.memory_space<vmem>>, %arg6: memref<6x128x128xf32, #tpu.memory_space<vmem>>, %arg7: memref<!tpu.dma_semaphore, #tpu.memory_space<semaphore_mem>>, %arg8: memref<!tpu.dma_semaphore, #tpu.memory_space<semaphore_mem>>, %arg9: memref<!tpu.dma_semaphore, #tpu.memory_space<semaphore_mem>>, %arg10: memref<!tpu.dma_semaphore, #tpu.memory_space<semaphore_mem>>, %arg11: memref<!tpu.dma_semaphore, #tpu.memory_space<semaphore_mem>>, %arg12: memref<!tpu.dma_semaphore, #tpu.memory_space<semaphore_mem>>, %arg13: memref<!tpu.dma_semaphore, #tpu.memory_space<semaphore_mem>>, %arg14: memref<!tpu.dma_semaphore, #tpu.memory_space<semaphore_mem>>, %arg15: memref<!tpu.dma_semaphore, #tpu.memory_space<semaphore_mem>>, %arg16: memref<!tpu.dma_semaphore, #tpu.memory_space<semaphore_mem>>, %arg17: memref<!tpu.dma_semaphore, #tpu.memory_space<semaphore_mem>>, %arg18: memref<!tpu.dma_semaphore, #tpu.memory_space<semaphore_mem>>) attributes {dimension_semantics = [#tpu.dimension_semantics<core_parallel>, #tpu.dimension_semantics<subcore_parallel>], iteration_bounds = array<i64: 2, 16>, scalar_prefetch = 0 : i64, scratch_operands = 14 : i64, tpu.core_type = #tpu.core_type<sc_vector_subcore>, window_params = [{transform_indices = #map}, {transform_indices = #map1}, {transform_indices = #map1}]} {
    %mul3A = arith.constant 2 : i32
    %mul3A_0 = arith.muli %arg1, %mul3A : i32
    %add3A = arith.addi %mul3A_0, %arg0 : i32
    %mul3A_1 = arith.constant 128 : i32
    %mul3A_2 = arith.muli %add3A, %mul3A_1 : i32
    "tpu.region"() ({
      %run_scoped3A = tpu.sem_alloc : memref<!tpu.dma_semaphore, #tpu.memory_space<semaphore_mem>>
      %dma_start3A_166 = arith.constant 0 : i32
      %dma_start3A_167 = arith.constant 0 : i32
      %dma_start3A_168 = tpu.memref_slice %arg5[%dma_start3A_166, %dma_start3A_167] : memref<50x128xi32, #tpu.memory_space<vmem>> -> memref<5x128xi32, #tpu.memory_space<vmem>>
      %dma_start3A_169 = arith.constant 0 : i32
      %dma_start3A_170 = arith.constant 0 : i32
      %dma_start3A_171 = tpu.memref_slice %arg2[%dma_start3A_169, %add3A, %dma_start3A_170] : memref<50x32x128xi32, #tpu.memory_space<hbm>> -> memref<5x1x128xi32, #tpu.memory_space<hbm>>
      %dma_start3A_172 = tpu.memref_squeeze %dma_start3A_171 : memref<5x1x128xi32, #tpu.memory_space<hbm>> -> memref<5x128xi32, #tpu.memory_space<hbm>>
      %dma_start3A_173 = arith.constant 0 : i32
      %dma_start3A_174 = arith.constant 0 : i32
      %dma_start3A_175 = tpu.memref_slice %arg5[%dma_start3A_173, %dma_start3A_174] : memref<50x128xi32, #tpu.memory_space<vmem>> -> memref<5x128xi32, #tpu.memory_space<vmem>>
      %dma_start3A_176 = arith.constant 0 : i32
      %dma_start3A_177 = arith.constant 0 : i32
      %dma_start3A_178 = tpu.memref_slice %arg2[%dma_start3A_176, %add3A, %dma_start3A_177] : memref<50x32x128xi32, #tpu.memory_space<hbm>> -> memref<5x1x128xi32, #tpu.memory_space<hbm>>
      %dma_start3A_179 = tpu.memref_squeeze %dma_start3A_178 : memref<5x1x128xi32, #tpu.memory_space<hbm>> -> memref<5x128xi32, #tpu.memory_space<hbm>>
      tpu.enqueue_dma source(%dma_start3A_179 : memref<5x128xi32, #tpu.memory_space<hbm>>) target(%dma_start3A_175 : memref<5x128xi32, #tpu.memory_space<vmem>>) target_semaphore(%run_scoped3A : memref<!tpu.dma_semaphore, #tpu.memory_space<semaphore_mem>>)
      %dma_wait3A_180 = arith.constant 0 : i32
      %dma_wait3A_181 = arith.constant 0 : i32
      %dma_wait3A_182 = tpu.memref_slice %arg5[%dma_wait3A_180, %dma_wait3A_181] : memref<50x128xi32, #tpu.memory_space<vmem>> -> memref<5x128xi32, #tpu.memory_space<vmem>>
      %dma_wait3A_183 = arith.constant 0 : i32
      %dma_wait3A_184 = arith.constant 0 : i32
      %dma_wait3A_185 = tpu.memref_slice %arg2[%dma_wait3A_183, %add3A, %dma_wait3A_184] : memref<50x32x128xi32, #tpu.memory_space<hbm>> -> memref<5x1x128xi32, #tpu.memory_space<hbm>>
      %dma_wait3A_186 = tpu.memref_squeeze %dma_wait3A_185 : memref<5x1x128xi32, #tpu.memory_space<hbm>> -> memref<5x128xi32, #tpu.memory_space<hbm>>
      %dma_wait3A_187 = arith.constant 0 : i32
      %dma_wait3A_188 = arith.constant 0 : i32
      %dma_wait3A_189 = tpu.memref_slice %arg5[%dma_wait3A_187, %dma_wait3A_188] : memref<50x128xi32, #tpu.memory_space<vmem>> -> memref<5x128xi32, #tpu.memory_space<vmem>>
      %dma_wait3A_190 = arith.constant 0 : i32
      %dma_wait3A_191 = arith.constant 0 : i32
      %dma_wait3A_192 = tpu.memref_slice %arg2[%dma_wait3A_190, %add3A, %dma_wait3A_191] : memref<50x32x128xi32, #tpu.memory_space<hbm>> -> memref<5x1x128xi32, #tpu.memory_space<hbm>>
      %dma_wait3A_193 = tpu.memref_squeeze %dma_wait3A_192 : memref<5x1x128xi32, #tpu.memory_space<hbm>> -> memref<5x128xi32, #tpu.memory_space<hbm>>
      tpu.wait_dma2 semaphore(%run_scoped3A : memref<!tpu.dma_semaphore, #tpu.memory_space<semaphore_mem>>) src(%dma_wait3A_193 : memref<5x128xi32, #tpu.memory_space<hbm>>) dst(%dma_wait3A_189 : memref<5x128xi32, #tpu.memory_space<vmem>>)
      tpu.yield
    }) : () -> ()
    %dma_start3A = arith.constant 0 : i32
    %dma_start3A_3 = arith.constant 0 : i32
    %dma_start3A_4 = arith.constant 0 : i32
    %dma_start3A_5 = arith.constant 0 : i32
    %dma_start3A_6 = tpu.memref_slice %arg6[%dma_start3A_3, %dma_start3A_4, %dma_start3A_5] : memref<6x128x128xf32, #tpu.memory_space<vmem>> -> memref<1x128x128xf32, #tpu.memory_space<vmem>>
    %dma_start3A_7 = tpu.memref_squeeze %dma_start3A_6 : memref<1x128x128xf32, #tpu.memory_space<vmem>> -> memref<128x128xf32, #tpu.memory_space<vmem>>
    %dma_start3A_8 = arith.constant 0 : i32
    %dma_start3A_9 = tpu.memref_slice %arg5[%dma_start3A, %dma_start3A_8] : memref<50x128xi32, #tpu.memory_space<vmem>> -> memref<1x128xi32, #tpu.memory_space<vmem>>
    %dma_start3A_10 = tpu.memref_squeeze %dma_start3A_9 : memref<1x128xi32, #tpu.memory_space<vmem>> -> memref<128xi32, #tpu.memory_space<vmem>>
    %dma_start3A_11 = arith.constant 0 : i32
    %dma_start3A_12 = arith.constant 0 : i32
    %dma_start3A_13 = tpu.memref_slice %arg3[%dma_start3A_11, %dma_start3A_12] : memref<100000x128xf32, #tpu.memory_space<hbm>> -> memref<100000x128xf32, #tpu.memory_space<hbm>>
    tpu.enqueue_indirect_dma source(%dma_start3A_13 : memref<100000x128xf32, #tpu.memory_space<hbm>>) target(%dma_start3A_7 : memref<128x128xf32, #tpu.memory_space<vmem>>) offsets(%dma_start3A_10 : memref<128xi32, #tpu.memory_space<vmem>>) semaphore(%arg7 : memref<!tpu.dma_semaphore, #tpu.memory_space<semaphore_mem>>)
    %dma_start3A_14 = arith.constant 1 : i32
    %dma_start3A_15 = arith.constant 1 : i32
    %dma_start3A_16 = arith.constant 0 : i32
    %dma_start3A_17 = arith.constant 0 : i32
    %dma_start3A_18 = tpu.memref_slice %arg6[%dma_start3A_15, %dma_start3A_16, %dma_start3A_17] : memref<6x128x128xf32, #tpu.memory_space<vmem>> -> memref<1x128x128xf32, #tpu.memory_space<vmem>>
    %dma_start3A_19 = tpu.memref_squeeze %dma_start3A_18 : memref<1x128x128xf32, #tpu.memory_space<vmem>> -> memref<128x128xf32, #tpu.memory_space<vmem>>
    %dma_start3A_20 = arith.constant 0 : i32
    %dma_start3A_21 = tpu.memref_slice %arg5[%dma_start3A_14, %dma_start3A_20] : memref<50x128xi32, #tpu.memory_space<vmem>> -> memref<1x128xi32, #tpu.memory_space<vmem>>
    %dma_start3A_22 = tpu.memref_squeeze %dma_start3A_21 : memref<1x128xi32, #tpu.memory_space<vmem>> -> memref<128xi32, #tpu.memory_space<vmem>>
    %dma_start3A_23 = arith.constant 0 : i32
    %dma_start3A_24 = arith.constant 0 : i32
    %dma_start3A_25 = tpu.memref_slice %arg3[%dma_start3A_23, %dma_start3A_24] : memref<100000x128xf32, #tpu.memory_space<hbm>> -> memref<100000x128xf32, #tpu.memory_space<hbm>>
    tpu.enqueue_indirect_dma source(%dma_start3A_25 : memref<100000x128xf32, #tpu.memory_space<hbm>>) target(%dma_start3A_19 : memref<128x128xf32, #tpu.memory_space<vmem>>) offsets(%dma_start3A_22 : memref<128xi32, #tpu.memory_space<vmem>>) semaphore(%arg8 : memref<!tpu.dma_semaphore, #tpu.memory_space<semaphore_mem>>)
    %dma_start3A_26 = arith.constant 2 : i32
    %dma_start3A_27 = arith.constant 2 : i32
    %dma_start3A_28 = arith.constant 0 : i32
    %dma_start3A_29 = arith.constant 0 : i32
    %dma_start3A_30 = tpu.memref_slice %arg6[%dma_start3A_27, %dma_start3A_28, %dma_start3A_29] : memref<6x128x128xf32, #tpu.memory_space<vmem>> -> memref<1x128x128xf32, #tpu.memory_space<vmem>>
    %dma_start3A_31 = tpu.memref_squeeze %dma_start3A_30 : memref<1x128x128xf32, #tpu.memory_space<vmem>> -> memref<128x128xf32, #tpu.memory_space<vmem>>
    %dma_start3A_32 = arith.constant 0 : i32
    %dma_start3A_33 = tpu.memref_slice %arg5[%dma_start3A_26, %dma_start3A_32] : memref<50x128xi32, #tpu.memory_space<vmem>> -> memref<1x128xi32, #tpu.memory_space<vmem>>
    %dma_start3A_34 = tpu.memref_squeeze %dma_start3A_33 : memref<1x128xi32, #tpu.memory_space<vmem>> -> memref<128xi32, #tpu.memory_space<vmem>>
    %dma_start3A_35 = arith.constant 0 : i32
    %dma_start3A_36 = arith.constant 0 : i32
    %dma_start3A_37 = tpu.memref_slice %arg3[%dma_start3A_35, %dma_start3A_36] : memref<100000x128xf32, #tpu.memory_space<hbm>> -> memref<100000x128xf32, #tpu.memory_space<hbm>>
    tpu.enqueue_indirect_dma source(%dma_start3A_37 : memref<100000x128xf32, #tpu.memory_space<hbm>>) target(%dma_start3A_31 : memref<128x128xf32, #tpu.memory_space<vmem>>) offsets(%dma_start3A_34 : memref<128xi32, #tpu.memory_space<vmem>>) semaphore(%arg9 : memref<!tpu.dma_semaphore, #tpu.memory_space<semaphore_mem>>)
    %dma_start3A_38 = arith.constant 3 : i32
    %dma_start3A_39 = arith.constant 3 : i32
    %dma_start3A_40 = arith.constant 0 : i32
    %dma_start3A_41 = arith.constant 0 : i32
    %dma_start3A_42 = tpu.memref_slice %arg6[%dma_start3A_39, %dma_start3A_40, %dma_start3A_41] : memref<6x128x128xf32, #tpu.memory_space<vmem>> -> memref<1x128x128xf32, #tpu.memory_space<vmem>>
    %dma_start3A_43 = tpu.memref_squeeze %dma_start3A_42 : memref<1x128x128xf32, #tpu.memory_space<vmem>> -> memref<128x128xf32, #tpu.memory_space<vmem>>
    %dma_start3A_44 = arith.constant 0 : i32
    %dma_start3A_45 = tpu.memref_slice %arg5[%dma_start3A_38, %dma_start3A_44] : memref<50x128xi32, #tpu.memory_space<vmem>> -> memref<1x128xi32, #tpu.memory_space<vmem>>
    %dma_start3A_46 = tpu.memref_squeeze %dma_start3A_45 : memref<1x128xi32, #tpu.memory_space<vmem>> -> memref<128xi32, #tpu.memory_space<vmem>>
    %dma_start3A_47 = arith.constant 0 : i32
    %dma_start3A_48 = arith.constant 0 : i32
    %dma_start3A_49 = tpu.memref_slice %arg3[%dma_start3A_47, %dma_start3A_48] : memref<100000x128xf32, #tpu.memory_space<hbm>> -> memref<100000x128xf32, #tpu.memory_space<hbm>>
    tpu.enqueue_indirect_dma source(%dma_start3A_49 : memref<100000x128xf32, #tpu.memory_space<hbm>>) target(%dma_start3A_43 : memref<128x128xf32, #tpu.memory_space<vmem>>) offsets(%dma_start3A_46 : memref<128xi32, #tpu.memory_space<vmem>>) semaphore(%arg10 : memref<!tpu.dma_semaphore, #tpu.memory_space<semaphore_mem>>)
    %dma_start3A_50 = arith.constant 4 : i32
    %dma_start3A_51 = arith.constant 4 : i32
    %dma_start3A_52 = arith.constant 0 : i32
    %dma_start3A_53 = arith.constant 0 : i32
    %dma_start3A_54 = tpu.memref_slice %arg6[%dma_start3A_51, %dma_start3A_52, %dma_start3A_53] : memref<6x128x128xf32, #tpu.memory_space<vmem>> -> memref<1x128x128xf32, #tpu.memory_space<vmem>>
    %dma_start3A_55 = tpu.memref_squeeze %dma_start3A_54 : memref<1x128x128xf32, #tpu.memory_space<vmem>> -> memref<128x128xf32, #tpu.memory_space<vmem>>
    %dma_start3A_56 = arith.constant 0 : i32
    %dma_start3A_57 = tpu.memref_slice %arg5[%dma_start3A_50, %dma_start3A_56] : memref<50x128xi32, #tpu.memory_space<vmem>> -> memref<1x128xi32, #tpu.memory_space<vmem>>
    %dma_start3A_58 = tpu.memref_squeeze %dma_start3A_57 : memref<1x128xi32, #tpu.memory_space<vmem>> -> memref<128xi32, #tpu.memory_space<vmem>>
    %dma_start3A_59 = arith.constant 0 : i32
    %dma_start3A_60 = arith.constant 0 : i32
    %dma_start3A_61 = tpu.memref_slice %arg3[%dma_start3A_59, %dma_start3A_60] : memref<100000x128xf32, #tpu.memory_space<hbm>> -> memref<100000x128xf32, #tpu.memory_space<hbm>>
    tpu.enqueue_indirect_dma source(%dma_start3A_61 : memref<100000x128xf32, #tpu.memory_space<hbm>>) target(%dma_start3A_55 : memref<128x128xf32, #tpu.memory_space<vmem>>) offsets(%dma_start3A_58 : memref<128xi32, #tpu.memory_space<vmem>>) semaphore(%arg11 : memref<!tpu.dma_semaphore, #tpu.memory_space<semaphore_mem>>)
    "tpu.region"() ({
      %run_scoped3A = tpu.sem_alloc : memref<!tpu.dma_semaphore, #tpu.memory_space<semaphore_mem>>
      %dma_start3A_166 = arith.constant 5 : i32
      %dma_start3A_167 = arith.constant 0 : i32
      %dma_start3A_168 = tpu.memref_slice %arg5[%dma_start3A_166, %dma_start3A_167] : memref<50x128xi32, #tpu.memory_space<vmem>> -> memref<45x128xi32, #tpu.memory_space<vmem>>
      %dma_start3A_169 = arith.constant 5 : i32
      %dma_start3A_170 = arith.constant 0 : i32
      %dma_start3A_171 = tpu.memref_slice %arg2[%dma_start3A_169, %add3A, %dma_start3A_170] : memref<50x32x128xi32, #tpu.memory_space<hbm>> -> memref<45x1x128xi32, #tpu.memory_space<hbm>>
      %dma_start3A_172 = tpu.memref_squeeze %dma_start3A_171 : memref<45x1x128xi32, #tpu.memory_space<hbm>> -> memref<45x128xi32, #tpu.memory_space<hbm>>
      %dma_start3A_173 = arith.constant 5 : i32
      %dma_start3A_174 = arith.constant 0 : i32
      %dma_start3A_175 = tpu.memref_slice %arg5[%dma_start3A_173, %dma_start3A_174] : memref<50x128xi32, #tpu.memory_space<vmem>> -> memref<45x128xi32, #tpu.memory_space<vmem>>
      %dma_start3A_176 = arith.constant 5 : i32
      %dma_start3A_177 = arith.constant 0 : i32
      %dma_start3A_178 = tpu.memref_slice %arg2[%dma_start3A_176, %add3A, %dma_start3A_177] : memref<50x32x128xi32, #tpu.memory_space<hbm>> -> memref<45x1x128xi32, #tpu.memory_space<hbm>>
      %dma_start3A_179 = tpu.memref_squeeze %dma_start3A_178 : memref<45x1x128xi32, #tpu.memory_space<hbm>> -> memref<45x128xi32, #tpu.memory_space<hbm>>
      tpu.enqueue_dma source(%dma_start3A_179 : memref<45x128xi32, #tpu.memory_space<hbm>>) target(%dma_start3A_175 : memref<45x128xi32, #tpu.memory_space<vmem>>) target_semaphore(%run_scoped3A : memref<!tpu.dma_semaphore, #tpu.memory_space<semaphore_mem>>)
      %dma_wait3A_180 = arith.constant 5 : i32
      %dma_wait3A_181 = arith.constant 0 : i32
      %dma_wait3A_182 = tpu.memref_slice %arg5[%dma_wait3A_180, %dma_wait3A_181] : memref<50x128xi32, #tpu.memory_space<vmem>> -> memref<45x128xi32, #tpu.memory_space<vmem>>
      %dma_wait3A_183 = arith.constant 5 : i32
      %dma_wait3A_184 = arith.constant 0 : i32
      %dma_wait3A_185 = tpu.memref_slice %arg2[%dma_wait3A_183, %add3A, %dma_wait3A_184] : memref<50x32x128xi32, #tpu.memory_space<hbm>> -> memref<45x1x128xi32, #tpu.memory_space<hbm>>
      %dma_wait3A_186 = tpu.memref_squeeze %dma_wait3A_185 : memref<45x1x128xi32, #tpu.memory_space<hbm>> -> memref<45x128xi32, #tpu.memory_space<hbm>>
      %dma_wait3A_187 = arith.constant 5 : i32
      %dma_wait3A_188 = arith.constant 0 : i32
      %dma_wait3A_189 = tpu.memref_slice %arg5[%dma_wait3A_187, %dma_wait3A_188] : memref<50x128xi32, #tpu.memory_space<vmem>> -> memref<45x128xi32, #tpu.memory_space<vmem>>
      %dma_wait3A_190 = arith.constant 5 : i32
      %dma_wait3A_191 = arith.constant 0 : i32
      %dma_wait3A_192 = tpu.memref_slice %arg2[%dma_wait3A_190, %add3A, %dma_wait3A_191] : memref<50x32x128xi32, #tpu.memory_space<hbm>> -> memref<45x1x128xi32, #tpu.memory_space<hbm>>
      %dma_wait3A_193 = tpu.memref_squeeze %dma_wait3A_192 : memref<45x1x128xi32, #tpu.memory_space<hbm>> -> memref<45x128xi32, #tpu.memory_space<hbm>>
      tpu.wait_dma2 semaphore(%run_scoped3A : memref<!tpu.dma_semaphore, #tpu.memory_space<semaphore_mem>>) src(%dma_wait3A_193 : memref<45x128xi32, #tpu.memory_space<hbm>>) dst(%dma_wait3A_189 : memref<45x128xi32, #tpu.memory_space<vmem>>)
      tpu.yield
    }) : () -> ()
    %dma_wait3A = arith.constant 0 : i32
    %dma_wait3A_62 = arith.constant 0 : i32
    %dma_wait3A_63 = arith.constant 0 : i32
    %dma_wait3A_64 = arith.constant 0 : i32
    %dma_wait3A_65 = tpu.memref_slice %arg6[%dma_wait3A_62, %dma_wait3A_63, %dma_wait3A_64] : memref<6x128x128xf32, #tpu.memory_space<vmem>> -> memref<1x128x128xf32, #tpu.memory_space<vmem>>
    %dma_wait3A_66 = tpu.memref_squeeze %dma_wait3A_65 : memref<1x128x128xf32, #tpu.memory_space<vmem>> -> memref<128x128xf32, #tpu.memory_space<vmem>>
    %dma_wait3A_67 = arith.constant 0 : i32
    %dma_wait3A_68 = tpu.memref_slice %arg5[%dma_wait3A, %dma_wait3A_67] : memref<50x128xi32, #tpu.memory_space<vmem>> -> memref<1x128xi32, #tpu.memory_space<vmem>>
    %dma_wait3A_69 = tpu.memref_squeeze %dma_wait3A_68 : memref<1x128xi32, #tpu.memory_space<vmem>> -> memref<128xi32, #tpu.memory_space<vmem>>
    %dma_wait3A_70 = arith.constant 0 : i32
    %dma_wait3A_71 = arith.constant 0 : i32
    %dma_wait3A_72 = tpu.memref_slice %arg3[%dma_wait3A_70, %dma_wait3A_71] : memref<100000x128xf32, #tpu.memory_space<hbm>> -> memref<100000x128xf32, #tpu.memory_space<hbm>>
    tpu.wait_indirect_dma semaphore(%arg7 : memref<!tpu.dma_semaphore, #tpu.memory_space<semaphore_mem>>) src(%dma_wait3A_72 : memref<100000x128xf32, #tpu.memory_space<hbm>>) dst(%dma_wait3A_66 : memref<128x128xf32, #tpu.memory_space<vmem>>)
    %dma_start3A_73 = arith.constant 0 : i32
    %dma_start3A_74 = arith.constant 0 : i32
    %dma_start3A_75 = arith.constant 0 : i32
    %dma_start3A_76 = tpu.memref_slice %arg6[%dma_start3A_73, %dma_start3A_74, %dma_start3A_75] : memref<6x128x128xf32, #tpu.memory_space<vmem>> -> memref<1x128x128xf32, #tpu.memory_space<vmem>>
    %dma_start3A_77 = tpu.memref_squeeze %dma_start3A_76 : memref<1x128x128xf32, #tpu.memory_space<vmem>> -> memref<128x128xf32, #tpu.memory_space<vmem>>
    %dma_start3A_78 = arith.constant 0 : i32
    %dma_start3A_79 = tpu.memref_slice %arg4[%mul3A_2, %dma_start3A_78] : memref<4096x6400xf32, #tpu.memory_space<hbm>> -> memref<128x128xf32, #tpu.memory_space<hbm>>
    %dma_start3A_80 = arith.constant 0 : i32
    %dma_start3A_81 = tpu.memref_slice %arg4[%mul3A_2, %dma_start3A_80] : memref<4096x6400xf32, #tpu.memory_space<hbm>> -> memref<128x128xf32, #tpu.memory_space<hbm>>
    %dma_start3A_82 = arith.constant 0 : i32
    %dma_start3A_83 = arith.constant 0 : i32
    %dma_start3A_84 = tpu.memref_slice %arg6[%dma_start3A_73, %dma_start3A_82, %dma_start3A_83] : memref<6x128x128xf32, #tpu.memory_space<vmem>> -> memref<1x128x128xf32, #tpu.memory_space<vmem>>
    %dma_start3A_85 = tpu.memref_squeeze %dma_start3A_84 : memref<1x128x128xf32, #tpu.memory_space<vmem>> -> memref<128x128xf32, #tpu.memory_space<vmem>>
    tpu.enqueue_dma source(%dma_start3A_85 : memref<128x128xf32, #tpu.memory_space<vmem>>) target(%dma_start3A_81 : memref<128x128xf32, #tpu.memory_space<hbm>>) target_semaphore(%arg13 : memref<!tpu.dma_semaphore, #tpu.memory_space<semaphore_mem>>)
    %dma_start3A_86 = arith.constant 5 : i32
    %dma_start3A_87 = arith.constant 5 : i32
    %dma_start3A_88 = arith.constant 0 : i32
    %dma_start3A_89 = arith.constant 0 : i32
    %dma_start3A_90 = tpu.memref_slice %arg6[%dma_start3A_87, %dma_start3A_88, %dma_start3A_89] : memref<6x128x128xf32, #tpu.memory_space<vmem>> -> memref<1x128x128xf32, #tpu.memory_space<vmem>>
    %dma_start3A_91 = tpu.memref_squeeze %dma_start3A_90 : memref<1x128x128xf32, #tpu.memory_space<vmem>> -> memref<128x128xf32, #tpu.memory_space<vmem>>
    %dma_start3A_92 = arith.constant 0 : i32
    %dma_start3A_93 = tpu.memref_slice %arg5[%dma_start3A_86, %dma_start3A_92] : memref<50x128xi32, #tpu.memory_space<vmem>> -> memref<1x128xi32, #tpu.memory_space<vmem>>
    %dma_start3A_94 = tpu.memref_squeeze %dma_start3A_93 : memref<1x128xi32, #tpu.memory_space<vmem>> -> memref<128xi32, #tpu.memory_space<vmem>>
    %dma_start3A_95 = arith.constant 0 : i32
    %dma_start3A_96 = arith.constant 0 : i32
    %dma_start3A_97 = tpu.memref_slice %arg3[%dma_start3A_95, %dma_start3A_96] : memref<100000x128xf32, #tpu.memory_space<hbm>> -> memref<100000x128xf32, #tpu.memory_space<hbm>>
    tpu.enqueue_indirect_dma source(%dma_start3A_97 : memref<100000x128xf32, #tpu.memory_space<hbm>>) target(%dma_start3A_91 : memref<128x128xf32, #tpu.memory_space<vmem>>) offsets(%dma_start3A_94 : memref<128xi32, #tpu.memory_space<vmem>>) semaphore(%arg12 : memref<!tpu.dma_semaphore, #tpu.memory_space<semaphore_mem>>)
    %dma_wait3A_98 = arith.constant 1 : i32
    %dma_wait3A_99 = arith.constant 1 : i32
    %dma_wait3A_100 = arith.constant 0 : i32
    %dma_wait3A_101 = arith.constant 0 : i32
    %dma_wait3A_102 = tpu.memref_slice %arg6[%dma_wait3A_99, %dma_wait3A_100, %dma_wait3A_101] : memref<6x128x128xf32, #tpu.memory_space<vmem>> -> memref<1x128x128xf32, #tpu.memory_space<vmem>>
    %dma_wait3A_103 = tpu.memref_squeeze %dma_wait3A_102 : memref<1x128x128xf32, #tpu.memory_space<vmem>> -> memref<128x128xf32, #tpu.memory_space<vmem>>
    %dma_wait3A_104 = arith.constant 0 : i32
    %dma_wait3A_105 = tpu.memref_slice %arg5[%dma_wait3A_98, %dma_wait3A_104] : memref<50x128xi32, #tpu.memory_space<vmem>> -> memref<1x128xi32, #tpu.memory_space<vmem>>
    %dma_wait3A_106 = tpu.memref_squeeze %dma_wait3A_105 : memref<1x128xi32, #tpu.memory_space<vmem>> -> memref<128xi32, #tpu.memory_space<vmem>>
    %dma_wait3A_107 = arith.constant 0 : i32
    %dma_wait3A_108 = arith.constant 0 : i32
    %dma_wait3A_109 = tpu.memref_slice %arg3[%dma_wait3A_107, %dma_wait3A_108] : memref<100000x128xf32, #tpu.memory_space<hbm>> -> memref<100000x128xf32, #tpu.memory_space<hbm>>
    tpu.wait_indirect_dma semaphore(%arg8 : memref<!tpu.dma_semaphore, #tpu.memory_space<semaphore_mem>>) src(%dma_wait3A_109 : memref<100000x128xf32, #tpu.memory_space<hbm>>) dst(%dma_wait3A_103 : memref<128x128xf32, #tpu.memory_space<vmem>>)
    %dma_start3A_110 = arith.constant 1 : i32
    %dma_start3A_111 = arith.constant 0 : i32
    %dma_start3A_112 = arith.constant 0 : i32
    %dma_start3A_113 = tpu.memref_slice %arg6[%dma_start3A_110, %dma_start3A_111, %dma_start3A_112] : memref<6x128x128xf32, #tpu.memory_space<vmem>> -> memref<1x128x128xf32, #tpu.memory_space<vmem>>
    %dma_start3A_114 = tpu.memref_squeeze %dma_start3A_113 : memref<1x128x128xf32, #tpu.memory_space<vmem>> -> memref<128x128xf32, #tpu.memory_space<vmem>>
    %dma_start3A_115 = arith.constant 128 : i32
    %dma_start3A_116 = tpu.memref_slice %arg4[%mul3A_2, %dma_start3A_115] : memref<4096x6400xf32, #tpu.memory_space<hbm>> -> memref<128x128xf32, #tpu.memory_space<hbm>>
    %dma_start3A_117 = arith.constant 128 : i32
    %dma_start3A_118 = tpu.memref_slice %arg4[%mul3A_2, %dma_start3A_117] : memref<4096x6400xf32, #tpu.memory_space<hbm>> -> memref<128x128xf32, #tpu.memory_space<hbm>>
    %dma_start3A_119 = arith.constant 0 : i32
    %dma_start3A_120 = arith.constant 0 : i32
    %dma_start3A_121 = tpu.memref_slice %arg6[%dma_start3A_110, %dma_start3A_119, %dma_start3A_120] : memref<6x128x128xf32, #tpu.memory_space<vmem>> -> memref<1x128x128xf32, #tpu.memory_space<vmem>>
    %dma_start3A_122 = tpu.memref_squeeze %dma_start3A_121 : memref<1x128x128xf32, #tpu.memory_space<vmem>> -> memref<128x128xf32, #tpu.memory_space<vmem>>
    tpu.enqueue_dma source(%dma_start3A_122 : memref<128x128xf32, #tpu.memory_space<vmem>>) target(%dma_start3A_118 : memref<128x128xf32, #tpu.memory_space<hbm>>) target_semaphore(%arg14 : memref<!tpu.dma_semaphore, #tpu.memory_space<semaphore_mem>>)
    %dma_wait3A_123 = arith.constant 0 : i32
    %dma_wait3A_124 = arith.constant 0 : i32
    %dma_wait3A_125 = arith.constant 0 : i32
    %dma_wait3A_126 = tpu.memref_slice %arg6[%dma_wait3A_123, %dma_wait3A_124, %dma_wait3A_125] : memref<6x128x128xf32, #tpu.memory_space<vmem>> -> memref<1x128x128xf32, #tpu.memory_space<vmem>>
    %dma_wait3A_127 = tpu.memref_squeeze %dma_wait3A_126 : memref<1x128x128xf32, #tpu.memory_space<vmem>> -> memref<128x128xf32, #tpu.memory_space<vmem>>
    %dma_wait3A_128 = arith.constant 0 : i32
    %dma_wait3A_129 = tpu.memref_slice %arg4[%mul3A_2, %dma_wait3A_128] : memref<4096x6400xf32, #tpu.memory_space<hbm>> -> memref<128x128xf32, #tpu.memory_space<hbm>>
    %dma_wait3A_130 = arith.constant 0 : i32
    %dma_wait3A_131 = tpu.memref_slice %arg4[%mul3A_2, %dma_wait3A_130] : memref<4096x6400xf32, #tpu.memory_space<hbm>> -> memref<128x128xf32, #tpu.memory_space<hbm>>
    %dma_wait3A_132 = arith.constant 0 : i32
    %dma_wait3A_133 = arith.constant 0 : i32
    %dma_wait3A_134 = tpu.memref_slice %arg6[%dma_wait3A_123, %dma_wait3A_132, %dma_wait3A_133] : memref<6x128x128xf32, #tpu.memory_space<vmem>> -> memref<1x128x128xf32, #tpu.memory_space<vmem>>
    %dma_wait3A_135 = tpu.memref_squeeze %dma_wait3A_134 : memref<1x128x128xf32, #tpu.memory_space<vmem>> -> memref<128x128xf32, #tpu.memory_space<vmem>>
    tpu.wait_dma2 semaphore(%arg13 : memref<!tpu.dma_semaphore, #tpu.memory_space<semaphore_mem>>) src(%dma_wait3A_135 : memref<128x128xf32, #tpu.memory_space<vmem>>) dst(%dma_wait3A_131 : memref<128x128xf32, #tpu.memory_space<hbm>>)
    %dma_start3A_136 = arith.constant 6 : i32
    %dma_start3A_137 = arith.constant 0 : i32
    %dma_start3A_138 = arith.constant 0 : i32
    %dma_start3A_139 = arith.constant 0 : i32
    %dma_start3A_140 = tpu.memref_slice %arg6[%dma_start3A_137, %dma_start3A_138, %dma_start3A_139] : memref<6x128x128xf32, #tpu.memory_space<vmem>> -> memref<1x128x128xf32, #tpu.memory_space<vmem>>
    %dma_start3A_141 = tpu.memref_squeeze %dma_start3A_140 : memref<1x128x128xf32, #tpu.memory_space<vmem>> -> memref<128x128xf32, #tpu.memory_space<vmem>>
    %dma_start3A_142 = arith.constant 0 : i32
    %dma_start3A_143 = tpu.memref_slice %arg5[%dma_start3A_136, %dma_start3A_142] : memref<50x128xi32, #tpu.memory_space<vmem>> -> memref<1x128xi32, #tpu.memory_space<vmem>>
    %dma_start3A_144 = tpu.memref_squeeze %dma_start3A_143 : memref<1x128xi32, #tpu.memory_space<vmem>> -> memref<128xi32, #tpu.memory_space<vmem>>
    %dma_start3A_145 = arith.constant 0 : i32
    %dma_start3A_146 = arith.constant 0 : i32
    %dma_start3A_147 = tpu.memref_slice %arg3[%dma_start3A_145, %dma_start3A_146] : memref<100000x128xf32, #tpu.memory_space<hbm>> -> memref<100000x128xf32, #tpu.memory_space<hbm>>
    tpu.enqueue_indirect_dma source(%dma_start3A_147 : memref<100000x128xf32, #tpu.memory_space<hbm>>) target(%dma_start3A_141 : memref<128x128xf32, #tpu.memory_space<vmem>>) offsets(%dma_start3A_144 : memref<128xi32, #tpu.memory_space<vmem>>) semaphore(%arg7 : memref<!tpu.dma_semaphore, #tpu.memory_space<semaphore_mem>>)
    %scan3A = arith.constant 0 : i32
    %scan3A_148 = arith.constant 0 : i32
    %scan3A_149 = arith.constant 8 : i32
    %scan3A_150 = arith.addi %scan3A_148, %scan3A_149 : i32
    %scan3A_151 = arith.constant 1 : i32
    scf.for %scan3A_166 = %scan3A_148 to %scan3A_150 step %scan3A_151  : i32 {
      %mul3A_167 = arith.constant 6 : i32
      %mul3A_168 = arith.muli %mul3A_167, %scan3A_166 : i32
      %add3A_169 = arith.constant 2 : i32
      %add3A_170 = arith.addi %mul3A_168, %add3A_169 : i32
      %add3A_171 = arith.constant 0 : i32
      %add3A_172 = arith.addi %add3A_170, %add3A_171 : i32
      %dma_wait3A_173 = arith.constant 2 : i32
      %dma_wait3A_174 = arith.constant 0 : i32
      %dma_wait3A_175 = arith.constant 0 : i32
      %dma_wait3A_176 = tpu.memref_slice %arg6[%dma_wait3A_173, %dma_wait3A_174, %dma_wait3A_175] : memref<6x128x128xf32, #tpu.memory_space<vmem>> -> memref<1x128x128xf32, #tpu.memory_space<vmem>>
      %dma_wait3A_177 = tpu.memref_squeeze %dma_wait3A_176 : memref<1x128x128xf32, #tpu.memory_space<vmem>> -> memref<128x128xf32, #tpu.memory_space<vmem>>
      %dma_wait3A_178 = arith.constant 0 : i32
      %dma_wait3A_179 = tpu.memref_slice %arg5[%add3A_172, %dma_wait3A_178] : memref<50x128xi32, #tpu.memory_space<vmem>> -> memref<1x128xi32, #tpu.memory_space<vmem>>
      %dma_wait3A_180 = tpu.memref_squeeze %dma_wait3A_179 : memref<1x128xi32, #tpu.memory_space<vmem>> -> memref<128xi32, #tpu.memory_space<vmem>>
      %dma_wait3A_181 = arith.constant 0 : i32
      %dma_wait3A_182 = arith.constant 0 : i32
      %dma_wait3A_183 = tpu.memref_slice %arg3[%dma_wait3A_181, %dma_wait3A_182] : memref<100000x128xf32, #tpu.memory_space<hbm>> -> memref<100000x128xf32, #tpu.memory_space<hbm>>
      tpu.wait_indirect_dma semaphore(%arg9 : memref<!tpu.dma_semaphore, #tpu.memory_space<semaphore_mem>>) src(%dma_wait3A_183 : memref<100000x128xf32, #tpu.memory_space<hbm>>) dst(%dma_wait3A_177 : memref<128x128xf32, #tpu.memory_space<vmem>>)
      %mul3A_184 = arith.constant 128 : i32
      %mul3A_185 = arith.muli %mul3A_184, %add3A_172 : i32
      %dma_start3A_186 = arith.constant 2 : i32
      %dma_start3A_187 = arith.constant 0 : i32
      %dma_start3A_188 = arith.constant 0 : i32
      %dma_start3A_189 = tpu.memref_slice %arg6[%dma_start3A_186, %dma_start3A_187, %dma_start3A_188] : memref<6x128x128xf32, #tpu.memory_space<vmem>> -> memref<1x128x128xf32, #tpu.memory_space<vmem>>
      %dma_start3A_190 = tpu.memref_squeeze %dma_start3A_189 : memref<1x128x128xf32, #tpu.memory_space<vmem>> -> memref<128x128xf32, #tpu.memory_space<vmem>>
      %dma_start3A_191 = tpu.memref_slice %arg4[%mul3A_2, %mul3A_185] : memref<4096x6400xf32, #tpu.memory_space<hbm>> -> memref<128x128xf32, #tpu.memory_space<hbm>>
      %dma_start3A_192 = tpu.memref_slice %arg4[%mul3A_2, %mul3A_185] : memref<4096x6400xf32, #tpu.memory_space<hbm>> -> memref<128x128xf32, #tpu.memory_space<hbm>>
      %dma_start3A_193 = arith.constant 0 : i32
      %dma_start3A_194 = arith.constant 0 : i32
      %dma_start3A_195 = tpu.memref_slice %arg6[%dma_start3A_186, %dma_start3A_193, %dma_start3A_194] : memref<6x128x128xf32, #tpu.memory_space<vmem>> -> memref<1x128x128xf32, #tpu.memory_space<vmem>>
      %dma_start3A_196 = tpu.memref_squeeze %dma_start3A_195 : memref<1x128x128xf32, #tpu.memory_space<vmem>> -> memref<128x128xf32, #tpu.memory_space<vmem>>
      tpu.enqueue_dma source(%dma_start3A_196 : memref<128x128xf32, #tpu.memory_space<vmem>>) target(%dma_start3A_192 : memref<128x128xf32, #tpu.memory_space<hbm>>) target_semaphore(%arg15 : memref<!tpu.dma_semaphore, #tpu.memory_space<semaphore_mem>>)
      %sub3A = arith.constant 1 : i32
      %sub3A_197 = arith.subi %add3A_172, %sub3A : i32
      %mul3A_198 = arith.constant 128 : i32
      %mul3A_199 = arith.muli %mul3A_198, %sub3A_197 : i32
      %dma_wait3A_200 = arith.constant 1 : i32
      %dma_wait3A_201 = arith.constant 0 : i32
      %dma_wait3A_202 = arith.constant 0 : i32
      %dma_wait3A_203 = tpu.memref_slice %arg6[%dma_wait3A_200, %dma_wait3A_201, %dma_wait3A_202] : memref<6x128x128xf32, #tpu.memory_space<vmem>> -> memref<1x128x128xf32, #tpu.memory_space<vmem>>
      %dma_wait3A_204 = tpu.memref_squeeze %dma_wait3A_203 : memref<1x128x128xf32, #tpu.memory_space<vmem>> -> memref<128x128xf32, #tpu.memory_space<vmem>>
      %dma_wait3A_205 = tpu.memref_slice %arg4[%mul3A_2, %mul3A_199] : memref<4096x6400xf32, #tpu.memory_space<hbm>> -> memref<128x128xf32, #tpu.memory_space<hbm>>
      %dma_wait3A_206 = tpu.memref_slice %arg4[%mul3A_2, %mul3A_199] : memref<4096x6400xf32, #tpu.memory_space<hbm>> -> memref<128x128xf32, #tpu.memory_space<hbm>>
      %dma_wait3A_207 = arith.constant 0 : i32
      %dma_wait3A_208 = arith.constant 0 : i32
      %dma_wait3A_209 = tpu.memref_slice %arg6[%dma_wait3A_200, %dma_wait3A_207, %dma_wait3A_208] : memref<6x128x128xf32, #tpu.memory_space<vmem>> -> memref<1x128x128xf32, #tpu.memory_space<vmem>>
      %dma_wait3A_210 = tpu.memref_squeeze %dma_wait3A_209 : memref<1x128x128xf32, #tpu.memory_space<vmem>> -> memref<128x128xf32, #tpu.memory_space<vmem>>
      tpu.wait_dma2 semaphore(%arg14 : memref<!tpu.dma_semaphore, #tpu.memory_space<semaphore_mem>>) src(%dma_wait3A_210 : memref<128x128xf32, #tpu.memory_space<vmem>>) dst(%dma_wait3A_206 : memref<128x128xf32, #tpu.memory_space<hbm>>)
      %add3A_211 = arith.constant 5 : i32
      %add3A_212 = arith.addi %add3A_172, %add3A_211 : i32
      %lt3A = arith.constant 50 : i32
      %lt3A_213 = arith.cmpi slt, %add3A_212, %lt3A : i32
      %convert_element_type3A = arith.extui %lt3A_213 : i1 to i32
      %cond3A = arith.constant 0 : i32
      %cond3A_214 = arith.cmpi ne, %convert_element_type3A, %cond3A : i32
      scf.if %cond3A_214 {
        %add3A_455 = arith.constant 5 : i32
        %add3A_456 = arith.addi %add3A_172, %add3A_455 : i32
        %dma_start3A_457 = arith.constant 1 : i32
        %dma_start3A_458 = arith.constant 0 : i32
        %dma_start3A_459 = arith.constant 0 : i32
        %dma_start3A_460 = tpu.memref_slice %arg6[%dma_start3A_457, %dma_start3A_458, %dma_start3A_459] : memref<6x128x128xf32, #tpu.memory_space<vmem>> -> memref<1x128x128xf32, #tpu.memory_space<vmem>>
        %dma_start3A_461 = tpu.memref_squeeze %dma_start3A_460 : memref<1x128x128xf32, #tpu.memory_space<vmem>> -> memref<128x128xf32, #tpu.memory_space<vmem>>
        %dma_start3A_462 = arith.constant 0 : i32
        %dma_start3A_463 = tpu.memref_slice %arg5[%add3A_456, %dma_start3A_462] : memref<50x128xi32, #tpu.memory_space<vmem>> -> memref<1x128xi32, #tpu.memory_space<vmem>>
        %dma_start3A_464 = tpu.memref_squeeze %dma_start3A_463 : memref<1x128xi32, #tpu.memory_space<vmem>> -> memref<128xi32, #tpu.memory_space<vmem>>
        %dma_start3A_465 = arith.constant 0 : i32
        %dma_start3A_466 = arith.constant 0 : i32
        %dma_start3A_467 = tpu.memref_slice %arg3[%dma_start3A_465, %dma_start3A_466] : memref<100000x128xf32, #tpu.memory_space<hbm>> -> memref<100000x128xf32, #tpu.memory_space<hbm>>
        tpu.enqueue_indirect_dma source(%dma_start3A_467 : memref<100000x128xf32, #tpu.memory_space<hbm>>) target(%dma_start3A_461 : memref<128x128xf32, #tpu.memory_space<vmem>>) offsets(%dma_start3A_464 : memref<128xi32, #tpu.memory_space<vmem>>) semaphore(%arg8 : memref<!tpu.dma_semaphore, #tpu.memory_space<semaphore_mem>>)
      } else {
      }
      %add3A_215 = arith.constant 1 : i32
      %add3A_216 = arith.addi %add3A_170, %add3A_215 : i32
      %dma_wait3A_217 = arith.constant 3 : i32
      %dma_wait3A_218 = arith.constant 0 : i32
      %dma_wait3A_219 = arith.constant 0 : i32
      %dma_wait3A_220 = tpu.memref_slice %arg6[%dma_wait3A_217, %dma_wait3A_218, %dma_wait3A_219] : memref<6x128x128xf32, #tpu.memory_space<vmem>> -> memref<1x128x128xf32, #tpu.memory_space<vmem>>
      %dma_wait3A_221 = tpu.memref_squeeze %dma_wait3A_220 : memref<1x128x128xf32, #tpu.memory_space<vmem>> -> memref<128x128xf32, #tpu.memory_space<vmem>>
      %dma_wait3A_222 = arith.constant 0 : i32
      %dma_wait3A_223 = tpu.memref_slice %arg5[%add3A_216, %dma_wait3A_222] : memref<50x128xi32, #tpu.memory_space<vmem>> -> memref<1x128xi32, #tpu.memory_space<vmem>>
      %dma_wait3A_224 = tpu.memref_squeeze %dma_wait3A_223 : memref<1x128xi32, #tpu.memory_space<vmem>> -> memref<128xi32, #tpu.memory_space<vmem>>
      %dma_wait3A_225 = arith.constant 0 : i32
      %dma_wait3A_226 = arith.constant 0 : i32
      %dma_wait3A_227 = tpu.memref_slice %arg3[%dma_wait3A_225, %dma_wait3A_226] : memref<100000x128xf32, #tpu.memory_space<hbm>> -> memref<100000x128xf32, #tpu.memory_space<hbm>>
      tpu.wait_indirect_dma semaphore(%arg10 : memref<!tpu.dma_semaphore, #tpu.memory_space<semaphore_mem>>) src(%dma_wait3A_227 : memref<100000x128xf32, #tpu.memory_space<hbm>>) dst(%dma_wait3A_221 : memref<128x128xf32, #tpu.memory_space<vmem>>)
      %mul3A_228 = arith.constant 128 : i32
      %mul3A_229 = arith.muli %mul3A_228, %add3A_216 : i32
      %dma_start3A_230 = arith.constant 3 : i32
      %dma_start3A_231 = arith.constant 0 : i32
      %dma_start3A_232 = arith.constant 0 : i32
      %dma_start3A_233 = tpu.memref_slice %arg6[%dma_start3A_230, %dma_start3A_231, %dma_start3A_232] : memref<6x128x128xf32, #tpu.memory_space<vmem>> -> memref<1x128x128xf32, #tpu.memory_space<vmem>>
      %dma_start3A_234 = tpu.memref_squeeze %dma_start3A_233 : memref<1x128x128xf32, #tpu.memory_space<vmem>> -> memref<128x128xf32, #tpu.memory_space<vmem>>
      %dma_start3A_235 = tpu.memref_slice %arg4[%mul3A_2, %mul3A_229] : memref<4096x6400xf32, #tpu.memory_space<hbm>> -> memref<128x128xf32, #tpu.memory_space<hbm>>
      %dma_start3A_236 = tpu.memref_slice %arg4[%mul3A_2, %mul3A_229] : memref<4096x6400xf32, #tpu.memory_space<hbm>> -> memref<128x128xf32, #tpu.memory_space<hbm>>
      %dma_start3A_237 = arith.constant 0 : i32
      %dma_start3A_238 = arith.constant 0 : i32
      %dma_start3A_239 = tpu.memref_slice %arg6[%dma_start3A_230, %dma_start3A_237, %dma_start3A_238] : memref<6x128x128xf32, #tpu.memory_space<vmem>> -> memref<1x128x128xf32, #tpu.memory_space<vmem>>
      %dma_start3A_240 = tpu.memref_squeeze %dma_start3A_239 : memref<1x128x128xf32, #tpu.memory_space<vmem>> -> memref<128x128xf32, #tpu.memory_space<vmem>>
      tpu.enqueue_dma source(%dma_start3A_240 : memref<128x128xf32, #tpu.memory_space<vmem>>) target(%dma_start3A_236 : memref<128x128xf32, #tpu.memory_space<hbm>>) target_semaphore(%arg16 : memref<!tpu.dma_semaphore, #tpu.memory_space<semaphore_mem>>)
      %sub3A_241 = arith.constant 1 : i32
      %sub3A_242 = arith.subi %add3A_216, %sub3A_241 : i32
      %mul3A_243 = arith.constant 128 : i32
      %mul3A_244 = arith.muli %mul3A_243, %sub3A_242 : i32
      %dma_wait3A_245 = arith.constant 2 : i32
      %dma_wait3A_246 = arith.constant 0 : i32
      %dma_wait3A_247 = arith.constant 0 : i32
      %dma_wait3A_248 = tpu.memref_slice %arg6[%dma_wait3A_245, %dma_wait3A_246, %dma_wait3A_247] : memref<6x128x128xf32, #tpu.memory_space<vmem>> -> memref<1x128x128xf32, #tpu.memory_space<vmem>>
      %dma_wait3A_249 = tpu.memref_squeeze %dma_wait3A_248 : memref<1x128x128xf32, #tpu.memory_space<vmem>> -> memref<128x128xf32, #tpu.memory_space<vmem>>
      %dma_wait3A_250 = tpu.memref_slice %arg4[%mul3A_2, %mul3A_244] : memref<4096x6400xf32, #tpu.memory_space<hbm>> -> memref<128x128xf32, #tpu.memory_space<hbm>>
      %dma_wait3A_251 = tpu.memref_slice %arg4[%mul3A_2, %mul3A_244] : memref<4096x6400xf32, #tpu.memory_space<hbm>> -> memref<128x128xf32, #tpu.memory_space<hbm>>
      %dma_wait3A_252 = arith.constant 0 : i32
      %dma_wait3A_253 = arith.constant 0 : i32
      %dma_wait3A_254 = tpu.memref_slice %arg6[%dma_wait3A_245, %dma_wait3A_252, %dma_wait3A_253] : memref<6x128x128xf32, #tpu.memory_space<vmem>> -> memref<1x128x128xf32, #tpu.memory_space<vmem>>
      %dma_wait3A_255 = tpu.memref_squeeze %dma_wait3A_254 : memref<1x128x128xf32, #tpu.memory_space<vmem>> -> memref<128x128xf32, #tpu.memory_space<vmem>>
      tpu.wait_dma2 semaphore(%arg15 : memref<!tpu.dma_semaphore, #tpu.memory_space<semaphore_mem>>) src(%dma_wait3A_255 : memref<128x128xf32, #tpu.memory_space<vmem>>) dst(%dma_wait3A_251 : memref<128x128xf32, #tpu.memory_space<hbm>>)
      %add3A_256 = arith.constant 5 : i32
      %add3A_257 = arith.addi %add3A_216, %add3A_256 : i32
      %lt3A_258 = arith.constant 50 : i32
      %lt3A_259 = arith.cmpi slt, %add3A_257, %lt3A_258 : i32
      %convert_element_type3A_260 = arith.extui %lt3A_259 : i1 to i32
      %cond3A_261 = arith.constant 0 : i32
      %cond3A_262 = arith.cmpi ne, %convert_element_type3A_260, %cond3A_261 : i32
      scf.if %cond3A_262 {
        %add3A_455 = arith.constant 5 : i32
        %add3A_456 = arith.addi %add3A_216, %add3A_455 : i32
        %dma_start3A_457 = arith.constant 2 : i32
        %dma_start3A_458 = arith.constant 0 : i32
        %dma_start3A_459 = arith.constant 0 : i32
        %dma_start3A_460 = tpu.memref_slice %arg6[%dma_start3A_457, %dma_start3A_458, %dma_start3A_459] : memref<6x128x128xf32, #tpu.memory_space<vmem>> -> memref<1x128x128xf32, #tpu.memory_space<vmem>>
        %dma_start3A_461 = tpu.memref_squeeze %dma_start3A_460 : memref<1x128x128xf32, #tpu.memory_space<vmem>> -> memref<128x128xf32, #tpu.memory_space<vmem>>
        %dma_start3A_462 = arith.constant 0 : i32
        %dma_start3A_463 = tpu.memref_slice %arg5[%add3A_456, %dma_start3A_462] : memref<50x128xi32, #tpu.memory_space<vmem>> -> memref<1x128xi32, #tpu.memory_space<vmem>>
        %dma_start3A_464 = tpu.memref_squeeze %dma_start3A_463 : memref<1x128xi32, #tpu.memory_space<vmem>> -> memref<128xi32, #tpu.memory_space<vmem>>
        %dma_start3A_465 = arith.constant 0 : i32
        %dma_start3A_466 = arith.constant 0 : i32
        %dma_start3A_467 = tpu.memref_slice %arg3[%dma_start3A_465, %dma_start3A_466] : memref<100000x128xf32, #tpu.memory_space<hbm>> -> memref<100000x128xf32, #tpu.memory_space<hbm>>
        tpu.enqueue_indirect_dma source(%dma_start3A_467 : memref<100000x128xf32, #tpu.memory_space<hbm>>) target(%dma_start3A_461 : memref<128x128xf32, #tpu.memory_space<vmem>>) offsets(%dma_start3A_464 : memref<128xi32, #tpu.memory_space<vmem>>) semaphore(%arg9 : memref<!tpu.dma_semaphore, #tpu.memory_space<semaphore_mem>>)
      } else {
      }
      %add3A_263 = arith.constant 2 : i32
      %add3A_264 = arith.addi %add3A_170, %add3A_263 : i32
      %dma_wait3A_265 = arith.constant 4 : i32
      %dma_wait3A_266 = arith.constant 0 : i32
      %dma_wait3A_267 = arith.constant 0 : i32
      %dma_wait3A_268 = tpu.memref_slice %arg6[%dma_wait3A_265, %dma_wait3A_266, %dma_wait3A_267] : memref<6x128x128xf32, #tpu.memory_space<vmem>> -> memref<1x128x128xf32, #tpu.memory_space<vmem>>
      %dma_wait3A_269 = tpu.memref_squeeze %dma_wait3A_268 : memref<1x128x128xf32, #tpu.memory_space<vmem>> -> memref<128x128xf32, #tpu.memory_space<vmem>>
      %dma_wait3A_270 = arith.constant 0 : i32
      %dma_wait3A_271 = tpu.memref_slice %arg5[%add3A_264, %dma_wait3A_270] : memref<50x128xi32, #tpu.memory_space<vmem>> -> memref<1x128xi32, #tpu.memory_space<vmem>>
      %dma_wait3A_272 = tpu.memref_squeeze %dma_wait3A_271 : memref<1x128xi32, #tpu.memory_space<vmem>> -> memref<128xi32, #tpu.memory_space<vmem>>
      %dma_wait3A_273 = arith.constant 0 : i32
      %dma_wait3A_274 = arith.constant 0 : i32
      %dma_wait3A_275 = tpu.memref_slice %arg3[%dma_wait3A_273, %dma_wait3A_274] : memref<100000x128xf32, #tpu.memory_space<hbm>> -> memref<100000x128xf32, #tpu.memory_space<hbm>>
      tpu.wait_indirect_dma semaphore(%arg11 : memref<!tpu.dma_semaphore, #tpu.memory_space<semaphore_mem>>) src(%dma_wait3A_275 : memref<100000x128xf32, #tpu.memory_space<hbm>>) dst(%dma_wait3A_269 : memref<128x128xf32, #tpu.memory_space<vmem>>)
      %mul3A_276 = arith.constant 128 : i32
      %mul3A_277 = arith.muli %mul3A_276, %add3A_264 : i32
      %dma_start3A_278 = arith.constant 4 : i32
      %dma_start3A_279 = arith.constant 0 : i32
      %dma_start3A_280 = arith.constant 0 : i32
      %dma_start3A_281 = tpu.memref_slice %arg6[%dma_start3A_278, %dma_start3A_279, %dma_start3A_280] : memref<6x128x128xf32, #tpu.memory_space<vmem>> -> memref<1x128x128xf32, #tpu.memory_space<vmem>>
      %dma_start3A_282 = tpu.memref_squeeze %dma_start3A_281 : memref<1x128x128xf32, #tpu.memory_space<vmem>> -> memref<128x128xf32, #tpu.memory_space<vmem>>
      %dma_start3A_283 = tpu.memref_slice %arg4[%mul3A_2, %mul3A_277] : memref<4096x6400xf32, #tpu.memory_space<hbm>> -> memref<128x128xf32, #tpu.memory_space<hbm>>
      %dma_start3A_284 = tpu.memref_slice %arg4[%mul3A_2, %mul3A_277] : memref<4096x6400xf32, #tpu.memory_space<hbm>> -> memref<128x128xf32, #tpu.memory_space<hbm>>
      %dma_start3A_285 = arith.constant 0 : i32
      %dma_start3A_286 = arith.constant 0 : i32
      %dma_start3A_287 = tpu.memref_slice %arg6[%dma_start3A_278, %dma_start3A_285, %dma_start3A_286] : memref<6x128x128xf32, #tpu.memory_space<vmem>> -> memref<1x128x128xf32, #tpu.memory_space<vmem>>
      %dma_start3A_288 = tpu.memref_squeeze %dma_start3A_287 : memref<1x128x128xf32, #tpu.memory_space<vmem>> -> memref<128x128xf32, #tpu.memory_space<vmem>>
      tpu.enqueue_dma source(%dma_start3A_288 : memref<128x128xf32, #tpu.memory_space<vmem>>) target(%dma_start3A_284 : memref<128x128xf32, #tpu.memory_space<hbm>>) target_semaphore(%arg17 : memref<!tpu.dma_semaphore, #tpu.memory_space<semaphore_mem>>)
      %sub3A_289 = arith.constant 1 : i32
      %sub3A_290 = arith.subi %add3A_264, %sub3A_289 : i32
      %mul3A_291 = arith.constant 128 : i32
      %mul3A_292 = arith.muli %mul3A_291, %sub3A_290 : i32
      %dma_wait3A_293 = arith.constant 3 : i32
      %dma_wait3A_294 = arith.constant 0 : i32
      %dma_wait3A_295 = arith.constant 0 : i32
      %dma_wait3A_296 = tpu.memref_slice %arg6[%dma_wait3A_293, %dma_wait3A_294, %dma_wait3A_295] : memref<6x128x128xf32, #tpu.memory_space<vmem>> -> memref<1x128x128xf32, #tpu.memory_space<vmem>>
      %dma_wait3A_297 = tpu.memref_squeeze %dma_wait3A_296 : memref<1x128x128xf32, #tpu.memory_space<vmem>> -> memref<128x128xf32, #tpu.memory_space<vmem>>
      %dma_wait3A_298 = tpu.memref_slice %arg4[%mul3A_2, %mul3A_292] : memref<4096x6400xf32, #tpu.memory_space<hbm>> -> memref<128x128xf32, #tpu.memory_space<hbm>>
      %dma_wait3A_299 = tpu.memref_slice %arg4[%mul3A_2, %mul3A_292] : memref<4096x6400xf32, #tpu.memory_space<hbm>> -> memref<128x128xf32, #tpu.memory_space<hbm>>
      %dma_wait3A_300 = arith.constant 0 : i32
      %dma_wait3A_301 = arith.constant 0 : i32
      %dma_wait3A_302 = tpu.memref_slice %arg6[%dma_wait3A_293, %dma_wait3A_300, %dma_wait3A_301] : memref<6x128x128xf32, #tpu.memory_space<vmem>> -> memref<1x128x128xf32, #tpu.memory_space<vmem>>
      %dma_wait3A_303 = tpu.memref_squeeze %dma_wait3A_302 : memref<1x128x128xf32, #tpu.memory_space<vmem>> -> memref<128x128xf32, #tpu.memory_space<vmem>>
      tpu.wait_dma2 semaphore(%arg16 : memref<!tpu.dma_semaphore, #tpu.memory_space<semaphore_mem>>) src(%dma_wait3A_303 : memref<128x128xf32, #tpu.memory_space<vmem>>) dst(%dma_wait3A_299 : memref<128x128xf32, #tpu.memory_space<hbm>>)
      %add3A_304 = arith.constant 5 : i32
      %add3A_305 = arith.addi %add3A_264, %add3A_304 : i32
      %lt3A_306 = arith.constant 50 : i32
      %lt3A_307 = arith.cmpi slt, %add3A_305, %lt3A_306 : i32
      %convert_element_type3A_308 = arith.extui %lt3A_307 : i1 to i32
      %cond3A_309 = arith.constant 0 : i32
      %cond3A_310 = arith.cmpi ne, %convert_element_type3A_308, %cond3A_309 : i32
      scf.if %cond3A_310 {
        %add3A_455 = arith.constant 5 : i32
        %add3A_456 = arith.addi %add3A_264, %add3A_455 : i32
        %dma_start3A_457 = arith.constant 3 : i32
        %dma_start3A_458 = arith.constant 0 : i32
        %dma_start3A_459 = arith.constant 0 : i32
        %dma_start3A_460 = tpu.memref_slice %arg6[%dma_start3A_457, %dma_start3A_458, %dma_start3A_459] : memref<6x128x128xf32, #tpu.memory_space<vmem>> -> memref<1x128x128xf32, #tpu.memory_space<vmem>>
        %dma_start3A_461 = tpu.memref_squeeze %dma_start3A_460 : memref<1x128x128xf32, #tpu.memory_space<vmem>> -> memref<128x128xf32, #tpu.memory_space<vmem>>
        %dma_start3A_462 = arith.constant 0 : i32
        %dma_start3A_463 = tpu.memref_slice %arg5[%add3A_456, %dma_start3A_462] : memref<50x128xi32, #tpu.memory_space<vmem>> -> memref<1x128xi32, #tpu.memory_space<vmem>>
        %dma_start3A_464 = tpu.memref_squeeze %dma_start3A_463 : memref<1x128xi32, #tpu.memory_space<vmem>> -> memref<128xi32, #tpu.memory_space<vmem>>
        %dma_start3A_465 = arith.constant 0 : i32
        %dma_start3A_466 = arith.constant 0 : i32
        %dma_start3A_467 = tpu.memref_slice %arg3[%dma_start3A_465, %dma_start3A_466] : memref<100000x128xf32, #tpu.memory_space<hbm>> -> memref<100000x128xf32, #tpu.memory_space<hbm>>
        tpu.enqueue_indirect_dma source(%dma_start3A_467 : memref<100000x128xf32, #tpu.memory_space<hbm>>) target(%dma_start3A_461 : memref<128x128xf32, #tpu.memory_space<vmem>>) offsets(%dma_start3A_464 : memref<128xi32, #tpu.memory_space<vmem>>) semaphore(%arg10 : memref<!tpu.dma_semaphore, #tpu.memory_space<semaphore_mem>>)
      } else {
      }
      %add3A_311 = arith.constant 3 : i32
      %add3A_312 = arith.addi %add3A_170, %add3A_311 : i32
      %dma_wait3A_313 = arith.constant 5 : i32
      %dma_wait3A_314 = arith.constant 0 : i32
      %dma_wait3A_315 = arith.constant 0 : i32
      %dma_wait3A_316 = tpu.memref_slice %arg6[%dma_wait3A_313, %dma_wait3A_314, %dma_wait3A_315] : memref<6x128x128xf32, #tpu.memory_space<vmem>> -> memref<1x128x128xf32, #tpu.memory_space<vmem>>
      %dma_wait3A_317 = tpu.memref_squeeze %dma_wait3A_316 : memref<1x128x128xf32, #tpu.memory_space<vmem>> -> memref<128x128xf32, #tpu.memory_space<vmem>>
      %dma_wait3A_318 = arith.constant 0 : i32
      %dma_wait3A_319 = tpu.memref_slice %arg5[%add3A_312, %dma_wait3A_318] : memref<50x128xi32, #tpu.memory_space<vmem>> -> memref<1x128xi32, #tpu.memory_space<vmem>>
      %dma_wait3A_320 = tpu.memref_squeeze %dma_wait3A_319 : memref<1x128xi32, #tpu.memory_space<vmem>> -> memref<128xi32, #tpu.memory_space<vmem>>
      %dma_wait3A_321 = arith.constant 0 : i32
      %dma_wait3A_322 = arith.constant 0 : i32
      %dma_wait3A_323 = tpu.memref_slice %arg3[%dma_wait3A_321, %dma_wait3A_322] : memref<100000x128xf32, #tpu.memory_space<hbm>> -> memref<100000x128xf32, #tpu.memory_space<hbm>>
      tpu.wait_indirect_dma semaphore(%arg12 : memref<!tpu.dma_semaphore, #tpu.memory_space<semaphore_mem>>) src(%dma_wait3A_323 : memref<100000x128xf32, #tpu.memory_space<hbm>>) dst(%dma_wait3A_317 : memref<128x128xf32, #tpu.memory_space<vmem>>)
      %mul3A_324 = arith.constant 128 : i32
      %mul3A_325 = arith.muli %mul3A_324, %add3A_312 : i32
      %dma_start3A_326 = arith.constant 5 : i32
      %dma_start3A_327 = arith.constant 0 : i32
      %dma_start3A_328 = arith.constant 0 : i32
      %dma_start3A_329 = tpu.memref_slice %arg6[%dma_start3A_326, %dma_start3A_327, %dma_start3A_328] : memref<6x128x128xf32, #tpu.memory_space<vmem>> -> memref<1x128x128xf32, #tpu.memory_space<vmem>>
      %dma_start3A_330 = tpu.memref_squeeze %dma_start3A_329 : memref<1x128x128xf32, #tpu.memory_space<vmem>> -> memref<128x128xf32, #tpu.memory_space<vmem>>
      %dma_start3A_331 = tpu.memref_slice %arg4[%mul3A_2, %mul3A_325] : memref<4096x6400xf32, #tpu.memory_space<hbm>> -> memref<128x128xf32, #tpu.memory_space<hbm>>
      %dma_start3A_332 = tpu.memref_slice %arg4[%mul3A_2, %mul3A_325] : memref<4096x6400xf32, #tpu.memory_space<hbm>> -> memref<128x128xf32, #tpu.memory_space<hbm>>
      %dma_start3A_333 = arith.constant 0 : i32
      %dma_start3A_334 = arith.constant 0 : i32
      %dma_start3A_335 = tpu.memref_slice %arg6[%dma_start3A_326, %dma_start3A_333, %dma_start3A_334] : memref<6x128x128xf32, #tpu.memory_space<vmem>> -> memref<1x128x128xf32, #tpu.memory_space<vmem>>
      %dma_start3A_336 = tpu.memref_squeeze %dma_start3A_335 : memref<1x128x128xf32, #tpu.memory_space<vmem>> -> memref<128x128xf32, #tpu.memory_space<vmem>>
      tpu.enqueue_dma source(%dma_start3A_336 : memref<128x128xf32, #tpu.memory_space<vmem>>) target(%dma_start3A_332 : memref<128x128xf32, #tpu.memory_space<hbm>>) target_semaphore(%arg18 : memref<!tpu.dma_semaphore, #tpu.memory_space<semaphore_mem>>)
      %sub3A_337 = arith.constant 1 : i32
      %sub3A_338 = arith.subi %add3A_312, %sub3A_337 : i32
      %mul3A_339 = arith.constant 128 : i32
      %mul3A_340 = arith.muli %mul3A_339, %sub3A_338 : i32
      %dma_wait3A_341 = arith.constant 4 : i32
      %dma_wait3A_342 = arith.constant 0 : i32
      %dma_wait3A_343 = arith.constant 0 : i32
      %dma_wait3A_344 = tpu.memref_slice %arg6[%dma_wait3A_341, %dma_wait3A_342, %dma_wait3A_343] : memref<6x128x128xf32, #tpu.memory_space<vmem>> -> memref<1x128x128xf32, #tpu.memory_space<vmem>>
      %dma_wait3A_345 = tpu.memref_squeeze %dma_wait3A_344 : memref<1x128x128xf32, #tpu.memory_space<vmem>> -> memref<128x128xf32, #tpu.memory_space<vmem>>
      %dma_wait3A_346 = tpu.memref_slice %arg4[%mul3A_2, %mul3A_340] : memref<4096x6400xf32, #tpu.memory_space<hbm>> -> memref<128x128xf32, #tpu.memory_space<hbm>>
      %dma_wait3A_347 = tpu.memref_slice %arg4[%mul3A_2, %mul3A_340] : memref<4096x6400xf32, #tpu.memory_space<hbm>> -> memref<128x128xf32, #tpu.memory_space<hbm>>
      %dma_wait3A_348 = arith.constant 0 : i32
      %dma_wait3A_349 = arith.constant 0 : i32
      %dma_wait3A_350 = tpu.memref_slice %arg6[%dma_wait3A_341, %dma_wait3A_348, %dma_wait3A_349] : memref<6x128x128xf32, #tpu.memory_space<vmem>> -> memref<1x128x128xf32, #tpu.memory_space<vmem>>
      %dma_wait3A_351 = tpu.memref_squeeze %dma_wait3A_350 : memref<1x128x128xf32, #tpu.memory_space<vmem>> -> memref<128x128xf32, #tpu.memory_space<vmem>>
      tpu.wait_dma2 semaphore(%arg17 : memref<!tpu.dma_semaphore, #tpu.memory_space<semaphore_mem>>) src(%dma_wait3A_351 : memref<128x128xf32, #tpu.memory_space<vmem>>) dst(%dma_wait3A_347 : memref<128x128xf32, #tpu.memory_space<hbm>>)
      %add3A_352 = arith.constant 5 : i32
      %add3A_353 = arith.addi %add3A_312, %add3A_352 : i32
      %lt3A_354 = arith.constant 50 : i32
      %lt3A_355 = arith.cmpi slt, %add3A_353, %lt3A_354 : i32
      %convert_element_type3A_356 = arith.extui %lt3A_355 : i1 to i32
      %cond3A_357 = arith.constant 0 : i32
      %cond3A_358 = arith.cmpi ne, %convert_element_type3A_356, %cond3A_357 : i32
      scf.if %cond3A_358 {
        %add3A_455 = arith.constant 5 : i32
        %add3A_456 = arith.addi %add3A_312, %add3A_455 : i32
        %dma_start3A_457 = arith.constant 4 : i32
        %dma_start3A_458 = arith.constant 0 : i32
        %dma_start3A_459 = arith.constant 0 : i32
        %dma_start3A_460 = tpu.memref_slice %arg6[%dma_start3A_457, %dma_start3A_458, %dma_start3A_459] : memref<6x128x128xf32, #tpu.memory_space<vmem>> -> memref<1x128x128xf32, #tpu.memory_space<vmem>>
        %dma_start3A_461 = tpu.memref_squeeze %dma_start3A_460 : memref<1x128x128xf32, #tpu.memory_space<vmem>> -> memref<128x128xf32, #tpu.memory_space<vmem>>
        %dma_start3A_462 = arith.constant 0 : i32
        %dma_start3A_463 = tpu.memref_slice %arg5[%add3A_456, %dma_start3A_462] : memref<50x128xi32, #tpu.memory_space<vmem>> -> memref<1x128xi32, #tpu.memory_space<vmem>>
        %dma_start3A_464 = tpu.memref_squeeze %dma_start3A_463 : memref<1x128xi32, #tpu.memory_space<vmem>> -> memref<128xi32, #tpu.memory_space<vmem>>
        %dma_start3A_465 = arith.constant 0 : i32
        %dma_start3A_466 = arith.constant 0 : i32
        %dma_start3A_467 = tpu.memref_slice %arg3[%dma_start3A_465, %dma_start3A_466] : memref<100000x128xf32, #tpu.memory_space<hbm>> -> memref<100000x128xf32, #tpu.memory_space<hbm>>
        tpu.enqueue_indirect_dma source(%dma_start3A_467 : memref<100000x128xf32, #tpu.memory_space<hbm>>) target(%dma_start3A_461 : memref<128x128xf32, #tpu.memory_space<vmem>>) offsets(%dma_start3A_464 : memref<128xi32, #tpu.memory_space<vmem>>) semaphore(%arg11 : memref<!tpu.dma_semaphore, #tpu.memory_space<semaphore_mem>>)
      } else {
      }
      %add3A_359 = arith.constant 4 : i32
      %add3A_360 = arith.addi %add3A_170, %add3A_359 : i32
      %dma_wait3A_361 = arith.constant 0 : i32
      %dma_wait3A_362 = arith.constant 0 : i32
      %dma_wait3A_363 = arith.constant 0 : i32
      %dma_wait3A_364 = tpu.memref_slice %arg6[%dma_wait3A_361, %dma_wait3A_362, %dma_wait3A_363] : memref<6x128x128xf32, #tpu.memory_space<vmem>> -> memref<1x128x128xf32, #tpu.memory_space<vmem>>
      %dma_wait3A_365 = tpu.memref_squeeze %dma_wait3A_364 : memref<1x128x128xf32, #tpu.memory_space<vmem>> -> memref<128x128xf32, #tpu.memory_space<vmem>>
      %dma_wait3A_366 = arith.constant 0 : i32
      %dma_wait3A_367 = tpu.memref_slice %arg5[%add3A_360, %dma_wait3A_366] : memref<50x128xi32, #tpu.memory_space<vmem>> -> memref<1x128xi32, #tpu.memory_space<vmem>>
      %dma_wait3A_368 = tpu.memref_squeeze %dma_wait3A_367 : memref<1x128xi32, #tpu.memory_space<vmem>> -> memref<128xi32, #tpu.memory_space<vmem>>
      %dma_wait3A_369 = arith.constant 0 : i32
      %dma_wait3A_370 = arith.constant 0 : i32
      %dma_wait3A_371 = tpu.memref_slice %arg3[%dma_wait3A_369, %dma_wait3A_370] : memref<100000x128xf32, #tpu.memory_space<hbm>> -> memref<100000x128xf32, #tpu.memory_space<hbm>>
      tpu.wait_indirect_dma semaphore(%arg7 : memref<!tpu.dma_semaphore, #tpu.memory_space<semaphore_mem>>) src(%dma_wait3A_371 : memref<100000x128xf32, #tpu.memory_space<hbm>>) dst(%dma_wait3A_365 : memref<128x128xf32, #tpu.memory_space<vmem>>)
      %mul3A_372 = arith.constant 128 : i32
      %mul3A_373 = arith.muli %mul3A_372, %add3A_360 : i32
      %dma_start3A_374 = arith.constant 0 : i32
      %dma_start3A_375 = arith.constant 0 : i32
      %dma_start3A_376 = arith.constant 0 : i32
      %dma_start3A_377 = tpu.memref_slice %arg6[%dma_start3A_374, %dma_start3A_375, %dma_start3A_376] : memref<6x128x128xf32, #tpu.memory_space<vmem>> -> memref<1x128x128xf32, #tpu.memory_space<vmem>>
      %dma_start3A_378 = tpu.memref_squeeze %dma_start3A_377 : memref<1x128x128xf32, #tpu.memory_space<vmem>> -> memref<128x128xf32, #tpu.memory_space<vmem>>
      %dma_start3A_379 = tpu.memref_slice %arg4[%mul3A_2, %mul3A_373] : memref<4096x6400xf32, #tpu.memory_space<hbm>> -> memref<128x128xf32, #tpu.memory_space<hbm>>
      %dma_start3A_380 = tpu.memref_slice %arg4[%mul3A_2, %mul3A_373] : memref<4096x6400xf32, #tpu.memory_space<hbm>> -> memref<128x128xf32, #tpu.memory_space<hbm>>
      %dma_start3A_381 = arith.constant 0 : i32
      %dma_start3A_382 = arith.constant 0 : i32
      %dma_start3A_383 = tpu.memref_slice %arg6[%dma_start3A_374, %dma_start3A_381, %dma_start3A_382] : memref<6x128x128xf32, #tpu.memory_space<vmem>> -> memref<1x128x128xf32, #tpu.memory_space<vmem>>
      %dma_start3A_384 = tpu.memref_squeeze %dma_start3A_383 : memref<1x128x128xf32, #tpu.memory_space<vmem>> -> memref<128x128xf32, #tpu.memory_space<vmem>>
      tpu.enqueue_dma source(%dma_start3A_384 : memref<128x128xf32, #tpu.memory_space<vmem>>) target(%dma_start3A_380 : memref<128x128xf32, #tpu.memory_space<hbm>>) target_semaphore(%arg13 : memref<!tpu.dma_semaphore, #tpu.memory_space<semaphore_mem>>)
      %sub3A_385 = arith.constant 1 : i32
      %sub3A_386 = arith.subi %add3A_360, %sub3A_385 : i32
      %mul3A_387 = arith.constant 128 : i32
      %mul3A_388 = arith.muli %mul3A_387, %sub3A_386 : i32
      %dma_wait3A_389 = arith.constant 5 : i32
      %dma_wait3A_390 = arith.constant 0 : i32
      %dma_wait3A_391 = arith.constant 0 : i32
      %dma_wait3A_392 = tpu.memref_slice %arg6[%dma_wait3A_389, %dma_wait3A_390, %dma_wait3A_391] : memref<6x128x128xf32, #tpu.memory_space<vmem>> -> memref<1x128x128xf32, #tpu.memory_space<vmem>>
      %dma_wait3A_393 = tpu.memref_squeeze %dma_wait3A_392 : memref<1x128x128xf32, #tpu.memory_space<vmem>> -> memref<128x128xf32, #tpu.memory_space<vmem>>
      %dma_wait3A_394 = tpu.memref_slice %arg4[%mul3A_2, %mul3A_388] : memref<4096x6400xf32, #tpu.memory_space<hbm>> -> memref<128x128xf32, #tpu.memory_space<hbm>>
      %dma_wait3A_395 = tpu.memref_slice %arg4[%mul3A_2, %mul3A_388] : memref<4096x6400xf32, #tpu.memory_space<hbm>> -> memref<128x128xf32, #tpu.memory_space<hbm>>
      %dma_wait3A_396 = arith.constant 0 : i32
      %dma_wait3A_397 = arith.constant 0 : i32
      %dma_wait3A_398 = tpu.memref_slice %arg6[%dma_wait3A_389, %dma_wait3A_396, %dma_wait3A_397] : memref<6x128x128xf32, #tpu.memory_space<vmem>> -> memref<1x128x128xf32, #tpu.memory_space<vmem>>
      %dma_wait3A_399 = tpu.memref_squeeze %dma_wait3A_398 : memref<1x128x128xf32, #tpu.memory_space<vmem>> -> memref<128x128xf32, #tpu.memory_space<vmem>>
      tpu.wait_dma2 semaphore(%arg18 : memref<!tpu.dma_semaphore, #tpu.memory_space<semaphore_mem>>) src(%dma_wait3A_399 : memref<128x128xf32, #tpu.memory_space<vmem>>) dst(%dma_wait3A_395 : memref<128x128xf32, #tpu.memory_space<hbm>>)
      %add3A_400 = arith.constant 5 : i32
      %add3A_401 = arith.addi %add3A_360, %add3A_400 : i32
      %lt3A_402 = arith.constant 50 : i32
      %lt3A_403 = arith.cmpi slt, %add3A_401, %lt3A_402 : i32
      %convert_element_type3A_404 = arith.extui %lt3A_403 : i1 to i32
      %cond3A_405 = arith.constant 0 : i32
      %cond3A_406 = arith.cmpi ne, %convert_element_type3A_404, %cond3A_405 : i32
      scf.if %cond3A_406 {
        %add3A_455 = arith.constant 5 : i32
        %add3A_456 = arith.addi %add3A_360, %add3A_455 : i32
        %dma_start3A_457 = arith.constant 5 : i32
        %dma_start3A_458 = arith.constant 0 : i32
        %dma_start3A_459 = arith.constant 0 : i32
        %dma_start3A_460 = tpu.memref_slice %arg6[%dma_start3A_457, %dma_start3A_458, %dma_start3A_459] : memref<6x128x128xf32, #tpu.memory_space<vmem>> -> memref<1x128x128xf32, #tpu.memory_space<vmem>>
        %dma_start3A_461 = tpu.memref_squeeze %dma_start3A_460 : memref<1x128x128xf32, #tpu.memory_space<vmem>> -> memref<128x128xf32, #tpu.memory_space<vmem>>
        %dma_start3A_462 = arith.constant 0 : i32
        %dma_start3A_463 = tpu.memref_slice %arg5[%add3A_456, %dma_start3A_462] : memref<50x128xi32, #tpu.memory_space<vmem>> -> memref<1x128xi32, #tpu.memory_space<vmem>>
        %dma_start3A_464 = tpu.memref_squeeze %dma_start3A_463 : memref<1x128xi32, #tpu.memory_space<vmem>> -> memref<128xi32, #tpu.memory_space<vmem>>
        %dma_start3A_465 = arith.constant 0 : i32
        %dma_start3A_466 = arith.constant 0 : i32
        %dma_start3A_467 = tpu.memref_slice %arg3[%dma_start3A_465, %dma_start3A_466] : memref<100000x128xf32, #tpu.memory_space<hbm>> -> memref<100000x128xf32, #tpu.memory_space<hbm>>
        tpu.enqueue_indirect_dma source(%dma_start3A_467 : memref<100000x128xf32, #tpu.memory_space<hbm>>) target(%dma_start3A_461 : memref<128x128xf32, #tpu.memory_space<vmem>>) offsets(%dma_start3A_464 : memref<128xi32, #tpu.memory_space<vmem>>) semaphore(%arg12 : memref<!tpu.dma_semaphore, #tpu.memory_space<semaphore_mem>>)
      } else {
      }
      %add3A_407 = arith.constant 5 : i32
      %add3A_408 = arith.addi %add3A_170, %add3A_407 : i32
      %dma_wait3A_409 = arith.constant 1 : i32
      %dma_wait3A_410 = arith.constant 0 : i32
      %dma_wait3A_411 = arith.constant 0 : i32
      %dma_wait3A_412 = tpu.memref_slice %arg6[%dma_wait3A_409, %dma_wait3A_410, %dma_wait3A_411] : memref<6x128x128xf32, #tpu.memory_space<vmem>> -> memref<1x128x128xf32, #tpu.memory_space<vmem>>
      %dma_wait3A_413 = tpu.memref_squeeze %dma_wait3A_412 : memref<1x128x128xf32, #tpu.memory_space<vmem>> -> memref<128x128xf32, #tpu.memory_space<vmem>>
      %dma_wait3A_414 = arith.constant 0 : i32
      %dma_wait3A_415 = tpu.memref_slice %arg5[%add3A_408, %dma_wait3A_414] : memref<50x128xi32, #tpu.memory_space<vmem>> -> memref<1x128xi32, #tpu.memory_space<vmem>>
      %dma_wait3A_416 = tpu.memref_squeeze %dma_wait3A_415 : memref<1x128xi32, #tpu.memory_space<vmem>> -> memref<128xi32, #tpu.memory_space<vmem>>
      %dma_wait3A_417 = arith.constant 0 : i32
      %dma_wait3A_418 = arith.constant 0 : i32
      %dma_wait3A_419 = tpu.memref_slice %arg3[%dma_wait3A_417, %dma_wait3A_418] : memref<100000x128xf32, #tpu.memory_space<hbm>> -> memref<100000x128xf32, #tpu.memory_space<hbm>>
      tpu.wait_indirect_dma semaphore(%arg8 : memref<!tpu.dma_semaphore, #tpu.memory_space<semaphore_mem>>) src(%dma_wait3A_419 : memref<100000x128xf32, #tpu.memory_space<hbm>>) dst(%dma_wait3A_413 : memref<128x128xf32, #tpu.memory_space<vmem>>)
      %mul3A_420 = arith.constant 128 : i32
      %mul3A_421 = arith.muli %mul3A_420, %add3A_408 : i32
      %dma_start3A_422 = arith.constant 1 : i32
      %dma_start3A_423 = arith.constant 0 : i32
      %dma_start3A_424 = arith.constant 0 : i32
      %dma_start3A_425 = tpu.memref_slice %arg6[%dma_start3A_422, %dma_start3A_423, %dma_start3A_424] : memref<6x128x128xf32, #tpu.memory_space<vmem>> -> memref<1x128x128xf32, #tpu.memory_space<vmem>>
      %dma_start3A_426 = tpu.memref_squeeze %dma_start3A_425 : memref<1x128x128xf32, #tpu.memory_space<vmem>> -> memref<128x128xf32, #tpu.memory_space<vmem>>
      %dma_start3A_427 = tpu.memref_slice %arg4[%mul3A_2, %mul3A_421] : memref<4096x6400xf32, #tpu.memory_space<hbm>> -> memref<128x128xf32, #tpu.memory_space<hbm>>
      %dma_start3A_428 = tpu.memref_slice %arg4[%mul3A_2, %mul3A_421] : memref<4096x6400xf32, #tpu.memory_space<hbm>> -> memref<128x128xf32, #tpu.memory_space<hbm>>
      %dma_start3A_429 = arith.constant 0 : i32
      %dma_start3A_430 = arith.constant 0 : i32
      %dma_start3A_431 = tpu.memref_slice %arg6[%dma_start3A_422, %dma_start3A_429, %dma_start3A_430] : memref<6x128x128xf32, #tpu.memory_space<vmem>> -> memref<1x128x128xf32, #tpu.memory_space<vmem>>
      %dma_start3A_432 = tpu.memref_squeeze %dma_start3A_431 : memref<1x128x128xf32, #tpu.memory_space<vmem>> -> memref<128x128xf32, #tpu.memory_space<vmem>>
      tpu.enqueue_dma source(%dma_start3A_432 : memref<128x128xf32, #tpu.memory_space<vmem>>) target(%dma_start3A_428 : memref<128x128xf32, #tpu.memory_space<hbm>>) target_semaphore(%arg14 : memref<!tpu.dma_semaphore, #tpu.memory_space<semaphore_mem>>)
      %sub3A_433 = arith.constant 1 : i32
      %sub3A_434 = arith.subi %add3A_408, %sub3A_433 : i32
      %mul3A_435 = arith.constant 128 : i32
      %mul3A_436 = arith.muli %mul3A_435, %sub3A_434 : i32
      %dma_wait3A_437 = arith.constant 0 : i32
      %dma_wait3A_438 = arith.constant 0 : i32
      %dma_wait3A_439 = arith.constant 0 : i32
      %dma_wait3A_440 = tpu.memref_slice %arg6[%dma_wait3A_437, %dma_wait3A_438, %dma_wait3A_439] : memref<6x128x128xf32, #tpu.memory_space<vmem>> -> memref<1x128x128xf32, #tpu.memory_space<vmem>>
      %dma_wait3A_441 = tpu.memref_squeeze %dma_wait3A_440 : memref<1x128x128xf32, #tpu.memory_space<vmem>> -> memref<128x128xf32, #tpu.memory_space<vmem>>
      %dma_wait3A_442 = tpu.memref_slice %arg4[%mul3A_2, %mul3A_436] : memref<4096x6400xf32, #tpu.memory_space<hbm>> -> memref<128x128xf32, #tpu.memory_space<hbm>>
      %dma_wait3A_443 = tpu.memref_slice %arg4[%mul3A_2, %mul3A_436] : memref<4096x6400xf32, #tpu.memory_space<hbm>> -> memref<128x128xf32, #tpu.memory_space<hbm>>
      %dma_wait3A_444 = arith.constant 0 : i32
      %dma_wait3A_445 = arith.constant 0 : i32
      %dma_wait3A_446 = tpu.memref_slice %arg6[%dma_wait3A_437, %dma_wait3A_444, %dma_wait3A_445] : memref<6x128x128xf32, #tpu.memory_space<vmem>> -> memref<1x128x128xf32, #tpu.memory_space<vmem>>
      %dma_wait3A_447 = tpu.memref_squeeze %dma_wait3A_446 : memref<1x128x128xf32, #tpu.memory_space<vmem>> -> memref<128x128xf32, #tpu.memory_space<vmem>>
      tpu.wait_dma2 semaphore(%arg13 : memref<!tpu.dma_semaphore, #tpu.memory_space<semaphore_mem>>) src(%dma_wait3A_447 : memref<128x128xf32, #tpu.memory_space<vmem>>) dst(%dma_wait3A_443 : memref<128x128xf32, #tpu.memory_space<hbm>>)
      %add3A_448 = arith.constant 5 : i32
      %add3A_449 = arith.addi %add3A_408, %add3A_448 : i32
      %lt3A_450 = arith.constant 50 : i32
      %lt3A_451 = arith.cmpi slt, %add3A_449, %lt3A_450 : i32
      %convert_element_type3A_452 = arith.extui %lt3A_451 : i1 to i32
      %cond3A_453 = arith.constant 0 : i32
      %cond3A_454 = arith.cmpi ne, %convert_element_type3A_452, %cond3A_453 : i32
      scf.if %cond3A_454 {
        %add3A_455 = arith.constant 5 : i32
        %add3A_456 = arith.addi %add3A_408, %add3A_455 : i32
        %dma_start3A_457 = arith.constant 0 : i32
        %dma_start3A_458 = arith.constant 0 : i32
        %dma_start3A_459 = arith.constant 0 : i32
        %dma_start3A_460 = tpu.memref_slice %arg6[%dma_start3A_457, %dma_start3A_458, %dma_start3A_459] : memref<6x128x128xf32, #tpu.memory_space<vmem>> -> memref<1x128x128xf32, #tpu.memory_space<vmem>>
        %dma_start3A_461 = tpu.memref_squeeze %dma_start3A_460 : memref<1x128x128xf32, #tpu.memory_space<vmem>> -> memref<128x128xf32, #tpu.memory_space<vmem>>
        %dma_start3A_462 = arith.constant 0 : i32
        %dma_start3A_463 = tpu.memref_slice %arg5[%add3A_456, %dma_start3A_462] : memref<50x128xi32, #tpu.memory_space<vmem>> -> memref<1x128xi32, #tpu.memory_space<vmem>>
        %dma_start3A_464 = tpu.memref_squeeze %dma_start3A_463 : memref<1x128xi32, #tpu.memory_space<vmem>> -> memref<128xi32, #tpu.memory_space<vmem>>
        %dma_start3A_465 = arith.constant 0 : i32
        %dma_start3A_466 = arith.constant 0 : i32
        %dma_start3A_467 = tpu.memref_slice %arg3[%dma_start3A_465, %dma_start3A_466] : memref<100000x128xf32, #tpu.memory_space<hbm>> -> memref<100000x128xf32, #tpu.memory_space<hbm>>
        tpu.enqueue_indirect_dma source(%dma_start3A_467 : memref<100000x128xf32, #tpu.memory_space<hbm>>) target(%dma_start3A_461 : memref<128x128xf32, #tpu.memory_space<vmem>>) offsets(%dma_start3A_464 : memref<128xi32, #tpu.memory_space<vmem>>) semaphore(%arg7 : memref<!tpu.dma_semaphore, #tpu.memory_space<semaphore_mem>>)
      } else {
      }
    }
    %scan3A_152 = arith.constant 8 : i32
    %dma_wait3A_153 = arith.constant 1 : i32
    %dma_wait3A_154 = arith.constant 0 : i32
    %dma_wait3A_155 = arith.constant 0 : i32
    %dma_wait3A_156 = tpu.memref_slice %arg6[%dma_wait3A_153, %dma_wait3A_154, %dma_wait3A_155] : memref<6x128x128xf32, #tpu.memory_space<vmem>> -> memref<1x128x128xf32, #tpu.memory_space<vmem>>
    %dma_wait3A_157 = tpu.memref_squeeze %dma_wait3A_156 : memref<1x128x128xf32, #tpu.memory_space<vmem>> -> memref<128x128xf32, #tpu.memory_space<vmem>>
    %dma_wait3A_158 = arith.constant 6272 : i32
    %dma_wait3A_159 = tpu.memref_slice %arg4[%mul3A_2, %dma_wait3A_158] : memref<4096x6400xf32, #tpu.memory_space<hbm>> -> memref<128x128xf32, #tpu.memory_space<hbm>>
    %dma_wait3A_160 = arith.constant 6272 : i32
    %dma_wait3A_161 = tpu.memref_slice %arg4[%mul3A_2, %dma_wait3A_160] : memref<4096x6400xf32, #tpu.memory_space<hbm>> -> memref<128x128xf32, #tpu.memory_space<hbm>>
    %dma_wait3A_162 = arith.constant 0 : i32
    %dma_wait3A_163 = arith.constant 0 : i32
    %dma_wait3A_164 = tpu.memref_slice %arg6[%dma_wait3A_153, %dma_wait3A_162, %dma_wait3A_163] : memref<6x128x128xf32, #tpu.memory_space<vmem>> -> memref<1x128x128xf32, #tpu.memory_space<vmem>>
    %dma_wait3A_165 = tpu.memref_squeeze %dma_wait3A_164 : memref<1x128x128xf32, #tpu.memory_space<vmem>> -> memref<128x128xf32, #tpu.memory_space<vmem>>
    tpu.wait_dma2 semaphore(%arg14 : memref<!tpu.dma_semaphore, #tpu.memory_space<semaphore_mem>>) src(%dma_wait3A_165 : memref<128x128xf32, #tpu.memory_space<vmem>>) dst(%dma_wait3A_161 : memref<128x128xf32, #tpu.memory_space<hbm>>)
    return
  }
}

</mosaic_0001>

<sc_bundles>
// kernel: kernel.3.cloned.1.call-start
scs
__scs_entry_jumppad:
0x0: {  	(pc) =	sbr.rel $0x88, $3  }
0x1: {  	(tag) =	ssettag $0x0;
	lr =	simm.s32 $0x1  }
0x2: {  	[smem:$0x3F9F] =	sst lr;
	_ =	strace $0xD0000000  }
0x3: {  	_ = 	snop  }
0x4: {  	_ = 	snop  }
0x5: {  	_ = 	snop  }
0x6: {  	_ = 	snop  }
0x7: {  	_ = 	snop  }
__scs_overlays_trampoline_lowered:
0x8: {  	[smem:$0x3FAE] =	sst s0  }
0x9: {  	[smem:$0x3FAF] =	sst s1  }
0xa: {  	[smem:$0x3FB0] =	sst s2  }
0xb: {  	[smem:$0x3FB1] =	sst s3  }
0xc: {  	[smem:$0x3FB2] =	sst s4  }
0xd: {  	[smem:$0x3FB3] =	sst s5  }
0xe: {  	[smem:$0x3FB4] =	sst s6  }
0xf: {  	[smem:$0x3FB5] =	sst s7  }
0x10: {  	[smem:$0x3FB6] =	sst s8  }
0x11: {  	[smem:$0x3FB7] =	sst s9;
	s0 =	simm.s32 @!p0 $0x0  }
0x12: {  	s1 =	sld [smem:$0x3F9D];
	s0 =	simm.s32 @p0 $0x1  }
0x13: {  	[smem:$0x3FB8] =	sst s0;
	s0 =	simm.s32 @!p1 $0x0  }
0x14: {  	s2 =	sld [smem:$0x3F9C];
	s0 =	simm.s32 @p1 $0x1  }
0x15: {  	[smem:$0x3FB9] =	sst s0;
	s0 =	simm.s32 @!p2 $0x0  }
0x16: {  	s3 =	sld [smem:$0x3FDB];
	s0 =	simm.s32 @p2 $0x1  }
0x17: {  	s4 =	simm.s32 $0x1BF5;
	[smem:$0x3FBB] =	sst s0  }
0x18: {  	s0 =	sld [smem:$0x3F9E];
	_ =	swait.ge [sflag:s4], $0x0  }
0x19: {  	s7 =	sld [smem:$0x3F9F]  }
0x1a: {  	s8 =	sadd.s32 $0xFFFFE003, lr  }
0x1b: {  	s9 =	sadd.s32 $0xFFFFFEF7, lr;
	s5 =	simm.s32 $0xFFFFFFFF;
	p2 =	slt.u32 s8, $0xFFFFF086  }
0x1c: {  	p1 =	slt.u32 s9, $0xF7A;
	s5 =	simm.s32 @!p2 $0x0  }
0x1d: {  	s5 =	simm.s32 @p1 $0x1;
	p0 =	seq.s32 s7, s2  }
0x1e: {  	s7 =	smul.u32 @!p0 $0xF7A, s2;
	p2 =	seq.s32 @!p0 s5, $0x0  }
0x1f: {  	s9 =	smul.u32 $0xF7A, s1;
	s8 =	simm.s32 @!p0 $0x1BF5;
	p2 =	por !p2, p0  }
0x20: {  	[sflag:s8] =	ssyncset.s32 @!p0 $0xFFFFF086;
	s6 =	sadd.s32 @!p0 s3, s7;
	s7 =	simm.s32 @!p0 $0x108  }
0x21: {  	s3 =	sadd.s32 s3, s9;
	s6 =	sadd.s32 @!p0 $0x88, s6;
	s7 =	simm.s32 @p2 $0x1082  }
0x22: {  	[simem:s7], [sflag:s8] =	dma.local @!p0 [hbm:s6], $0xF7A  }
0x23: {  	s9 =	sor.u32 $0xD0000000, s2;
	s6 =	simm.s32 $0x108;
	_ =	swait.ge @!p0 [sflag:s8], $0x0  }
0x24: {  	s3 =	sadd.s32 $0x88, s3;
	s6 =	simm.s32 @!p1 $0x1082;
	[sflag:s4] =	ssyncset.s32 $0xFFFFF086  }
0x25: {  	[simem:s6], [sflag:s4] =	dma.local [hbm:s3], $0xF7A  }
0x26: {  	[smem:$0x3F9F] =	sst s1;
	(tag) =	ssettag s2;
	_ =	strace s9  }
0x27: {  	s1 =	sld [smem:$0x3FAF]  }
0x28: {  	s2 =	sld [smem:$0x3FB0]  }
0x29: {  	s4 =	sld [smem:$0x3FB2]  }
0x2a: {  	p0 =	seq.s32 s5, $0x0;
	s5 =	sld [smem:$0x3FB3]  }
0x2b: {  	s6 =	sld [smem:$0x3FB4]  }
0x2c: {  	s7 =	sld [smem:$0x3FB5]  }
0x2d: {  	s3 =	simm.s32 $0x108;
	s8 =	sld [smem:$0x3FB6]  }
0x2e: {  	s3 =	simm.s32 @!p0 $0x1082;
	s9 =	sld [smem:$0x3FB7]  }
0x2f: {  	lr =	sadd.s32 s0, s3;
	s0 =	sld [smem:$0x3FAE]  }
0x30: {  	s3 =	sld [smem:$0x3FB1]  }
0x31: {  	[smem:$0x3FBA] =	sst s10  }
0x32: {  	s10 =	sld [smem:$0x3FB8];
	_ =	sdelay $0x3  }
0x33: {  	p0 =	seq.s32 s10, $0x1;
	s10 =	sld [smem:$0x3FBA];
	_ =	sdelay $0x3  }
0x34: {  	[smem:$0x3FBA] =	sst s10  }
0x35: {  	s10 =	sld [smem:$0x3FB9];
	_ =	sdelay $0x3  }
0x36: {  	p1 =	seq.s32 s10, $0x1;
	s10 =	sld [smem:$0x3FBA];
	_ =	sdelay $0x3  }
0x37: {  	[smem:$0x3FBA] =	sst s10  }
0x38: {  	s10 =	sld [smem:$0x3FBB]  }
0x39: {  	_ = 	snop;
	(pc) =	sbr.ind lr, $3  }
0x3a: {  	_ = 	snop  }
0x3b: {  	_ = 	snop  }
0x3c: {  	p2 =	seq.s32 s10, $0x1;
	s10 =	sld [smem:$0x3FBA]  }
0x3d: {  	_ =	shalt  }
0x3e: {  	_ =	shalt  }
0x3f: {  	_ =	shalt  }
0x40: {  	_ =	shalt  }
0x41: {  	_ =	shalt  }
0x42: {  	_ =	shalt  }
0x43: {  	_ =	shalt  }
0x44: {  	_ =	shalt  }
0x45: {  	_ =	shalt  }
0x46: {  	_ =	shalt  }
0x47: {  	_ =	shalt  }
0x48: {  	_ =	shalt  }
0x49: {  	_ =	shalt  }
0x4a: {  	_ =	shalt  }
0x4b: {  	_ =	shalt  }
0x4c: {  	_ =	shalt  }
0x4d: {  	_ =	shalt  }
0x4e: {  	_ =	shalt  }
0x4f: {  	_ =	shalt  }
0x50: {  	_ =	shalt  }
0x51: {  	_ =	shalt  }
0x52: {  	_ =	shalt  }
0x53: {  	_ =	shalt  }
0x54: {  	_ =	shalt  }
0x55: {  	_ =	shalt  }
0x56: {  	_ =	shalt  }
0x57: {  	_ =	shalt  }
0x58: {  	_ =	shalt  }
0x59: {  	_ =	shalt  }
0x5a: {  	_ =	shalt  }
0x5b: {  	_ =	shalt  }
0x5c: {  	_ =	shalt  }
0x5d: {  	_ =	shalt  }
0x5e: {  	_ =	shalt  }
0x5f: {  	_ =	shalt  }
0x60: {  	_ =	shalt  }
0x61: {  	_ =	shalt  }
0x62: {  	_ =	shalt  }
0x63: {  	_ =	shalt  }
0x64: {  	_ =	shalt  }
0x65: {  	_ =	shalt  }
0x66: {  	_ =	shalt  }
0x67: {  	_ =	shalt  }
0x68: {  	_ =	shalt  }
0x69: {  	_ =	shalt  }
0x6a: {  	_ =	shalt  }
0x6b: {  	_ =	shalt  }
0x6c: {  	_ =	shalt  }
0x6d: {  	_ =	shalt  }
0x6e: {  	_ =	shalt  }
0x6f: {  	_ =	shalt  }
0x70: {  	_ =	shalt  }
0x71: {  	_ =	shalt  }
0x72: {  	_ =	shalt  }
0x73: {  	_ =	shalt  }
0x74: {  	_ =	shalt  }
0x75: {  	_ =	shalt  }
0x76: {  	_ =	shalt  }
0x77: {  	_ =	shalt  }
0x78: {  	_ =	shalt  }
0x79: {  	_ =	shalt  }
0x7a: {  	_ =	shalt  }
0x7b: {  	_ =	shalt  }
0x7c: {  	_ =	shalt  }
0x7d: {  	_ =	shalt  }
0x7e: {  	_ =	shalt  }
0x7f: {  	_ =	shalt  }
0x80: {  	_ =	shalt  }
0x81: {  	_ =	shalt  }
0x82: {  	_ =	shalt  }
0x83: {  	_ =	shalt  }
0x84: {  	_ =	shalt  }
0x85: {  	_ =	shalt  }
0x86: {  	_ =	shalt  }
0x87: {  	_ =	shalt  }
.Lfunc_end0:
.L_simem_size_0:
called_computation_lowered:
.L_overlay_start_0:
0x88: {  	s2 =	sld [smem:$0x3FD9]  }
0x89: {  	s3 =	sld [smem:$0x3FFE];
	_ =	sdelay $0x1  }
0x8a: {  	s1 =	srdreg.scid  }
0x8b: {  	s0 =	sand.u32 $0x1, s1  }
0x8c: {  	s17 =	sshll.u32 s0, $0xA;
	s2 =	sadd.s32 s3, s2  }
0x8d: {  	s2 =	sadd.s32 s2, s17  }
0x8e: {  	[smem:$0x3FC6] =	sst s2  }
0x8f: {  	_ = 	snop  }
0x90: {  	s2 =	sld [smem:$0x3FC8]  }
0x91: {  	s18 =	sld [smem:$0x3FD0];
	(tm) =	ssettm $0x1  }
0x92: {  	s4 =	sld [smem:$0x3FFB];
	_ =	sdelay $0x3  }
0x93: {  	_ =	strace s4  }
0x94: {  	s4 =	sld [smem:$0x3FFC];
	_ =	sdelay $0x3  }
0x95: {  	_ =	strace s4  }
0x96: {  	s4 =	sld [smem:$0x3FFD];
	_ =	sdelay $0x3  }
0x97: {  	_ =	strace s4  }
0x98: {  	_ =	strace $0x8FFFFFFF  }
0x99: {  	s19 =	sld [smem:$0x3FDB];
	_ =	sdelay $0x1  }
0x9a: {  	s5 =	simm.s32 $_scs_section_size  }
0x9b: {  	s6 =	simm.s32 $_size__tile_overlayer_lowered;
	s7 =	simm.s32 $_tile_overlayer_lowered  }
0x9c: {  	s22 =	simm.s32 $0x1BFF;
	s21 =	sshll.u32 s7, $0x1;
	s4 =	sadd.s32 s5, s19  }
0x9d: {  	s8 =	simm.s32 $0x0;
	s20 =	sshll.u32 s6, $0x1;
	s6 =	sadd.s32 s21, s4  }
0x9e: {  	[timem:s8], [sflag:s22] =	dma.local [hbm:s6], s20  }
0x9f: {  	_ =	swait.ge [sflag:s22], s20  }
0xa0: {  	s5 =	ssub.s32 $0x0, s20;
	[sflag:s22] =	ssyncset.done $0x0  }
0xa1: {  	[sflag:s22] =	ssyncadd.s32 s5;
	_ =	sdelay $0x1  }
0xa2: {  	s23 =	simm.s32 $0x1B8B  }
0xa3: {  	_ =	swait.ge [sflag:s23], $0x1  }
0xa4: {  	[sflag:s23] =	ssyncset.done $0x0  }
0xa5: {  	s25 =	simm.s32 $0x1B8E;
	s24 =	sld [smem:$0x3FFE];
	[sflag:s23] =	ssyncadd.s32 $0xFFFFFFFF  }
0xa6: {  	s26 =	simm.s32 $execute0_lowered;
	[smem:$0x3FD2] =	sst s25  }
0xa7: {  	s6 =	sshll.u32 s26, $0x1;
	_ =	strace $0x80000046;
	[dreg:$0x1] =	wrdreg $0xFFFFFFFF  }
0xa8: {  	s28 =	simm.s32 $_size_execute0_lowered;
	s4 =	sadd.s32 s4, s6;
	[dreg:$0x0] =	wrdreg $0x0  }
0xa9: {  	s6 =	sshll.u32 s28, $0x1;
	[dreg:$0x2] =	wrdreg s4  }
0xaa: {  	[dreg:$0x3] =	wrdreg s6  }
0xab: {  	[dreg:$0x4] =	wrdreg $0xC0  }
0xac: {  	_ =	task [dreg:s8], $0x5FFFF  }
0xad: {  	[dreg:$0x1] =	wrdreg $0xFFFFFFFF  }
0xae: {  	[dreg:$0x0] =	wrdreg $0x60  }
0xaf: {  	[dreg:$0x2] =	wrdreg s24  }
0xb0: {  	[dreg:$0x3] =	wrdreg s2  }
0xb1: {  	[dreg:$0x4] =	wrdreg s18  }
0xb2: {  	[dreg:$0x5] =	wrdreg $0x9  }
0xb3: {  	_ =	task.clear_ibuf [dreg:s8], $0x6FFFF;
	_ =	strace $0x90000046  }
0xb4: {  	s29 =	simm.s32 $0x9;
	_ =	strace $0x80000048  }
0xb5: {  	_ =	swait.ge [sflag:s29], $0x1  }
0xb6: {  	[sflag:s29] =	ssyncadd.s32 $0xFFFFFFFF  }
0xb7: {  	_ =	strace $0x90000048  }
0xb8: {  	_ =	sfence  }
0xb9: {  	s30 =	sld [smem:$0x0];
	_ =	sdelay $0x2  }
0xba: {  	s31 =	sshll.u32 s1, $0xD;
	s1 =	sshrl.u32 s1, $0x2  }
0xbb: {  	s3 =	sand.u32 $0x4000, s31;
	s1 =	sadd.s32 s1, s30  }
0xbc: {  	s0 =	sor.u32 s3, s0;
	s1 =	sshll.u32 s1, $0x11  }
0xbd: {  	s0 =	sor.u32 s1, s0  }
0xbe: {  	s0 =	sadd.s32 $0x8F2B, s0  }
0xbf: {  	[sflag:s0] =	ssyncadd.remote.s32 $0x1  }
0xc0: {  	_ =	sfence.sel $0xFFFF  }
0xc1: {  	[dreg:$0x0] =	wrdreg $0xFFFFFFFF;
	(pc) =	sbr.abs _section_cstart, $3  }
0xc2: {  	[dreg:$0x1] =	wrdreg $0xFFFFFFFF  }
0xc3: {  	_ =	task.clear_ibuf [dreg:s8], $0x2FFFF;
	_ =	strace $0x9FFFFFFF  }
0xc4: {  	(tm) =	ssettm $0x7FFFFFFF  }
0xc5: {  	_ =	shalt  }
tec
execute0_lowered:
.L_overlay_start_1:
0x0: {  	(tag) =	ssettag $0x1  }
0x1: {  	s0 =	rddreg [dreg:$0x0]  }
0x2: {  	s2 =	rddreg [dreg:$0x1]  }
0x3: {  	s1 =	rddreg [dreg:$0x2]  }
0x4: {  	s3 =	srdreg.scid;
	s6 =	stileid.u32;
	s5 =	simm.s32 $0x0  }
0x5: {  	s28 =	simm.s32 $0x1;
	s29 =	simm.s32 $0x400;
	s30 =	simm.s32 $0xC800  }
0x6: {  	s31 =	simm.s32 $0x15C00;
	s8 =	simm.s32 $0xB;
	s10 =	simm.s32 $0x0  }
0x7: {  	s3 =	sand.u32 $0x1, s3;
	s4 =	sshll.u32 s6, $0x1;
	[smem:$0x7FF] =	sst s5  }
0x8: {  	s6 =	smul.u32 $0x190000, s6;
	s4 =	sor.u32 s3, s4;
	_ =	strace $0x80000047  }
0x9: {  	s14 =	ssub.s32 $0x2, s3;
	s3 =	smul.u32 $0xC8000, s3;
	s13 =	sshll.u32 s4, $0x4  }
0xa: {  	s4 =	smul.u32 $0xC8000, s4;
	s7 =	sshrl.u32 s14, $0x1;
	s0 =	sadd.s32 s13, s0  }
0xb: {  	s5 =	ssub.s32 s14, s7;
	s17 =	sadd.s32 s3, s6;
	s6 =	simm.s32 $0xA  }
0xc: {  	s7 =	simm.s32 $0x6;
	s4 =	sshrl.u32 s4, $0x3;
	s15 =	sadd.s32 $0x400, s0  }
0xd: {  	s0 =	sadd.s32 $0xE00, s0;
	s18 =	smax.u32 s5, $0x1;
	s19 =	sor.u32 $0x1800, s17  }
0xe: {  	s20 =	sor.u32 $0x1400, s17;
	s21 =	sor.u32 $0x1000, s17;
	[dreg:$0x4] =	wrdreg s15  }
0xf: {  	s24 =	sor.u32 $0xC00, s17;
	s25 =	sor.u32 $0x800, s17;
	[dreg:$0x6] =	wrdreg s0  }
0x10: {  	s5 =	simm.s32 $0xC;
	s4 =	sadd.s32 s1, s4;
	[dreg:$0x8] =	wrdreg s18  }
0x11: {  	s3 =	sshrl.u32 s19, $0x3;
	s23 =	sshrl.u32 s21, $0x3;
	s0 =	sor.u32 $0x1C00, s17  }
0x12: {  	s15 =	simm.s32 $0x80;
	s18 =	simm.s32 $0x1C00;
	s19 =	simm.s32 $0x5C00  }
0x13: {  	[dreg:$0x5] =	wrdreg s4;
	s16 =	sadd.s32 $0x80, s4;
	s4 =	sshrl.u32 s20, $0x3  }
0x14: {  	s3 =	sadd.s32 s3, s1;
	s0 =	sshrl.u32 s0, $0x3;
	[dreg:$0x7] =	wrdreg s16  }
0x15: {  	s20 =	simm.s32 $0x4;
	[dreg:$0x9] =	wrdreg s3;
	s22 =	sadd.s32 s4, s1  }
0x16: {  	s3 =	sadd.s32 s23, s1;
	s4 =	sshrl.u32 s25, $0x3;
	[dreg:$0xa] =	wrdreg s22  }
.Ltmp0:
0x17: {  	s0 =	sadd.s32 s0, s1;
	[dreg:$0xb] =	wrdreg s3;
	(pc) =	sbr.rel .LBB2_1-.Ltmp0, $4  }
0x18: {  	s3 =	sshrl.u32 s24, $0x3;
	s26 =	sadd.s32 s4, s1;
	[dreg:$0xe] =	wrdreg s0  }
0x19: {  	s0 =	simm.s32 $0x2;
	s22 =	simm.s32 $0x3;
	s24 =	simm.s32 $0x8  }
0x1a: {  	s4 =	simm.s32 $0x5;
	s3 =	sadd.s32 s3, s1;
	[dreg:$0xd] =	wrdreg s26  }
0x1b: {  	s1 =	simm.s32 $0x7;
	[dreg:$0xc] =	wrdreg s3;
	s3 =	simm.s32 $0x9  }
.LBB2_4:
0x1c: {  	_ =	swait.ge [sflag:s24], $0x4000  }
0x1d: {  	s10 =	rddreg [dreg:$0xf]  }
0x1e: {  	s9 =	rddreg [dreg:$0x8];
	s10 =	sadd.s32 $0x1, s10  }
0x1f: {  	p0 =	sne.s32 s10, s9  }
.Ltmp1:
0x20: {  	_ = 	snop;
	(pc) =	sbr.rel @!p0 .LBB2_5-.Ltmp1, $3  }
0x21: {  	_ =	sdelay $0x1  }
0x22: {  	[sflag:s24] =	ssyncset.done $0x0  }
0x23: {  	[sflag:s24] =	ssyncadd.s32 $0xFFFFC000  }
.LBB2_1:
0x24: {  	[dreg:$0xf] =	wrdreg s10;
	s9 =	simm.s32 $0x0  }
0x25: {  	s23 =	rddreg [dreg:$0x4];
	s11 =	simm.s32 $0x1000;
	s25 =	simm.s32 $0xD  }
0x26: {  	[tilespmem:s9], [sflag:$0xD] =	stream.strided.gather [hbm4b:s23+s15], $0x280, s11, s15, $0x38;
	[tilespmem:$0x19C00] =	vst v63  }
0x27: {  	_ =	swait.ge [sflag:s25], $0x280  }
0x28: {  	[sflag:s25] =	ssyncset.done $0x0  }
0x29: {  	[sflag:s25] =	ssyncadd.s32 $0xFFFFFD80  }
0x2a: {  	[tilespmem:s18], [sflag:$0x1] =	stream.indirect.gather [hbm4b:s2+s15], $0x80, s9, s15, $0xb8;
	[tilespmem:$0x19C00] =	vst v63  }
0x2b: {  	_ = 	snop  }
0x2c: {  	[tilespmem:s19], [sflag:$0x2] =	stream.indirect.gather [hbm4b:s2+s15], $0x80, s15, s15, $0xb8;
	[tilespmem:$0x19C00] =	vst v63  }
0x2d: {  	s26 =	simm.s32 $0x100;
	s12 =	simm.s32 $0x9C00  }
0x2e: {  	[tilespmem:s12], [sflag:$0x3] =	stream.indirect.gather [hbm4b:s2+s15], $0x80, s26, s15, $0xb8;
	[tilespmem:$0x19C00] =	vst v63  }
0x2f: {  	s13 =	simm.s32 $0xDC00;
	s12 =	simm.s32 $0x180  }
0x30: {  	[tilespmem:s13], [sflag:$0x4] =	stream.indirect.gather [hbm4b:s2+s15], $0x80, s12, s15, $0xb8;
	[tilespmem:$0x19C00] =	vst v63  }
0x31: {  	s14 =	simm.s32 $0x200;
	s16 =	simm.s32 $0x11C00  }
0x32: {  	[tilespmem:s16], [sflag:$0x5] =	stream.indirect.gather [hbm4b:s2+s15], $0x80, s14, s15, $0xb8;
	[tilespmem:$0x19C00] =	vst v63  }
0x33: {  	s21 =	simm.s32 $0x280;
	s17 =	rddreg [dreg:$0x6]  }
0x34: {  	[tilespmem:s21], [sflag:$0xD] =	stream.strided.gather [hbm4b:s17+s15], $0x1680, s11, s15, $0x38;
	[tilespmem:$0x19C00] =	vst v63  }
0x35: {  	_ =	swait.ge [sflag:s25], $0x1680  }
0x36: {  	[sflag:s25] =	ssyncset.done $0x0  }
0x37: {  	[sflag:s25] =	ssyncadd.s32 $0xFFFFE980  }
0x38: {  	_ =	swait.ge [sflag:s28], $0x4000  }
0x39: {  	[sflag:s28] =	ssyncset.done $0x0  }
0x3a: {  	s23 =	rddreg [dreg:$0x5];
	[sflag:s28] =	ssyncadd.s32 $0xFFFFC000  }
0x3b: {  	[hbm4b:s23+s29] =	stream.strided.scatter [tilespmem:s18], [sflag:$0x7], $0x4000, s30, s29, $0x38;
	[tilespmem:$0x19C00] =	vst v63  }
0x3c: {  	_ = 	snop  }
0x3d: {  	[tilespmem:s31], [sflag:$0x6] =	stream.indirect.gather [hbm4b:s2+s15], $0x80, s21, s15, $0xb8;
	[tilespmem:$0x19C00] =	vst v63  }
0x3e: {  	_ =	swait.ge [sflag:s0], $0x4000  }
0x3f: {  	[sflag:s0] =	ssyncset.done $0x0  }
0x40: {  	s25 =	rddreg [dreg:$0x7];
	[sflag:s0] =	ssyncadd.s32 $0xFFFFC000  }
0x41: {  	[hbm4b:s25+s29] =	stream.strided.scatter [tilespmem:s19], [sflag:$0x8], $0x4000, s30, s29, $0x38;
	[tilespmem:$0x19C00] =	vst v63  }
0x42: {  	_ =	swait.ge [sflag:s1], $0x4000  }
0x43: {  	s14 =	rddreg [dreg:$0xe]  }
0x44: {  	s13 =	rddreg [dreg:$0xd]  }
0x45: {  	s12 =	rddreg [dreg:$0xc]  }
0x46: {  	[sflag:s1] =	ssyncset.done $0x0;
	s16 =	rddreg [dreg:$0xb]  }
0x47: {  	s26 =	simm.s32 $0x300;
	s11 =	rddreg [dreg:$0xa];
	[sflag:s1] =	ssyncadd.s32 $0xFFFFC000  }
0x48: {  	[tilespmem:s18], [sflag:$0x1] =	stream.indirect.gather [hbm4b:s2+s15], $0x80, s26, s15, $0xb8;
	[tilespmem:$0x19C00] =	vst v63  }
0x49: {  	s10 =	rddreg [dreg:$0x9];
	s26 =	simm.s32 $0x0  }
.LBB2_2:
0x4a: {  	_ =	swait.ge [sflag:s22], $0x4000  }
0x4b: {  	[sflag:s22] =	ssyncset.done $0x0  }
0x4c: {  	s9 =	simm.s32 $0x9C00;
	[sflag:s22] =	ssyncadd.s32 $0xFFFFC000  }
0x4d: {  	[hbm4b:s13+s29] =	stream.strided.scatter [tilespmem:s9], [sflag:$0x9], $0x4000, s30, s29, $0x38;
	[tilespmem:$0x19C00] =	vst v63  }
0x4e: {  	_ =	swait.ge [sflag:s24], $0x4000  }
0x4f: {  	s17 =	sshra.s32 s26, $0x2;
	[sflag:s24] =	ssyncset.done $0x0  }
0x50: {  	s21 =	sadd.s32 $0x380, s17;
	[sflag:s24] =	ssyncadd.s32 $0xFFFFC000  }
0x51: {  	[tilespmem:s19], [sflag:$0x2] =	stream.indirect.gather [hbm4b:s2+s15], $0x80, s21, s15, $0xb8;
	[tilespmem:$0x19C00] =	vst v63  }
0x52: {  	_ =	swait.ge [sflag:s20], $0x4000  }
0x53: {  	[sflag:s20] =	ssyncset.done $0x0  }
0x54: {  	s23 =	simm.s32 $0xDC00;
	[sflag:s20] =	ssyncadd.s32 $0xFFFFC000  }
0x55: {  	[hbm4b:s12+s29] =	stream.strided.scatter [tilespmem:s23], [sflag:$0xA], $0x4000, s30, s29, $0x38;
	[tilespmem:$0x19C00] =	vst v63  }
0x56: {  	p0 =	seq.s32 s26, $0x5400;
	_ =	swait.ge [sflag:s3], $0x4000  }
0x57: {  	s25 =	simm.s32 @!p0 $0x9C00;
	s9 =	sshra.s32 @!p0 s26, $0x2;
	[sflag:s3] =	ssyncset.done $0x0  }
0x58: {  	s21 =	sadd.s32 @!p0 $0x400, s9;
	s23 =	simm.s32 @!p0 $0x80;
	[sflag:s3] =	ssyncadd.s32 $0xFFFFC000  }
0x59: {  	[tilespmem:s25], [sflag:$0x3] =	stream.indirect.gather @!p0 [hbm4b:s2+s23], $0x80, s21, s23, $0xb8;
	[tilespmem:$0x19C00] =	vst v63  }
0x5a: {  	_ =	swait.ge [sflag:s4], $0x4000  }
0x5b: {  	[sflag:s4] =	ssyncset.done $0x0  }
0x5c: {  	s25 =	simm.s32 $0x11C00;
	[sflag:s4] =	ssyncadd.s32 $0xFFFFC000  }
0x5d: {  	[hbm4b:s16+s29] =	stream.strided.scatter [tilespmem:s25], [sflag:$0xB], $0x4000, s30, s29, $0x38;
	[tilespmem:$0x19C00] =	vst v63  }
0x5e: {  	_ =	swait.ge [sflag:s6], $0x4000  }
0x5f: {  	[sflag:s6] =	ssyncset.done $0x0  }
0x60: {  	s21 =	sadd.s32 @!p0 $0x480, s9;
	s25 =	simm.s32 @!p0 $0xDC00;
	[sflag:s6] =	ssyncadd.s32 $0xFFFFC000  }
0x61: {  	[tilespmem:s25], [sflag:$0x4] =	stream.indirect.gather @!p0 [hbm4b:s2+s23], $0x80, s21, s23, $0xb8;
	[tilespmem:$0x19C00] =	vst v63  }
0x62: {  	_ =	swait.ge [sflag:s7], $0x4000  }
0x63: {  	[sflag:s7] =	ssyncset.done $0x0  }
0x64: {  	[sflag:s7] =	ssyncadd.s32 $0xFFFFC000  }
0x65: {  	[hbm4b:s11+s29] =	stream.strided.scatter [tilespmem:s31], [sflag:$0xC], $0x4000, s30, s29, $0x38;
	[tilespmem:$0x19C00] =	vst v63  }
0x66: {  	_ =	swait.ge [sflag:s8], $0x4000  }
0x67: {  	[sflag:s8] =	ssyncset.done $0x0  }
0x68: {  	s21 =	sadd.s32 @!p0 $0x500, s9;
	s25 =	simm.s32 @!p0 $0x11C00;
	[sflag:s8] =	ssyncadd.s32 $0xFFFFC000  }
0x69: {  	[tilespmem:s25], [sflag:$0x5] =	stream.indirect.gather @!p0 [hbm4b:s2+s23], $0x80, s21, s23, $0xb8;
	[tilespmem:$0x19C00] =	vst v63  }
0x6a: {  	_ =	swait.ge [sflag:s28], $0x4000  }
0x6b: {  	[sflag:s28] =	ssyncset.done $0x0  }
0x6c: {  	[sflag:s28] =	ssyncadd.s32 $0xFFFFC000  }
0x6d: {  	[hbm4b:s10+s29] =	stream.strided.scatter [tilespmem:s18], [sflag:$0x7], $0x4000, s30, s29, $0x38;
	[tilespmem:$0x19C00] =	vst v63  }
0x6e: {  	_ =	swait.ge [sflag:s5], $0x4000  }
0x6f: {  	[sflag:s5] =	ssyncset.done $0x0  }
0x70: {  	s9 =	sadd.s32 @!p0 $0x580, s9;
	s21 =	simm.s32 @!p0 $0x15C00;
	[sflag:s5] =	ssyncadd.s32 $0xFFFFC000  }
0x71: {  	[tilespmem:s21], [sflag:$0x6] =	stream.indirect.gather @!p0 [hbm4b:s2+s23], $0x80, s9, s23, $0xb8;
	[tilespmem:$0x19C00] =	vst v63  }
0x72: {  	_ =	swait.ge [sflag:s0], $0x4000  }
0x73: {  	[sflag:s0] =	ssyncset.done $0x0  }
.Ltmp2:
0x74: {  	[sflag:s0] =	ssyncadd.s32 $0xFFFFC000;
	(pc) =	sbr.rel @p0 .LBB2_4-.Ltmp2, $4  }
0x75: {  	[hbm4b:s14+s29] =	stream.strided.scatter [tilespmem:s19], [sflag:$0x8], $0x4000, s30, s29, $0x38;
	[tilespmem:$0x19C00] =	vst v63  }
0x76: {  	_ =	swait.ge [sflag:s1], $0x4000  }
0x77: {  	[sflag:s1] =	ssyncset.done $0x0  }
0x78: {  	[sflag:s1] =	ssyncadd.s32 $0xFFFFC000  }
.Ltmp3:
0x79: {  	(pc) =	sbr.rel .LBB2_2-.Ltmp3, $4  }
0x7a: {  	s9 =	sadd.s32 $0x600, s17;
	s26 =	sadd.s32 $0xC00, s26  }
0x7b: {  	s10 =	sadd.s32 $0x300, s10;
	s11 =	sadd.s32 $0x300, s11;
	s16 =	sadd.s32 $0x300, s16  }
0x7c: {  	s12 =	sadd.s32 $0x300, s12;
	s13 =	sadd.s32 $0x300, s13;
	s14 =	sadd.s32 $0x300, s14  }
0x7d: {  	[tilespmem:s18], [sflag:$0x1] =	stream.indirect.gather [hbm4b:s2+s15], $0x80, s9, s15, $0xb8;
	[tilespmem:$0x19C00] =	vst v63  }
.LBB2_5:
0x7e: {  	_ =	sfence.sel $0x180000  }
0x7f: {  	[bflag:$0x0] =	sbarrier.arrive $0xFFFF  }
0x80: {  	_ =	strace $0x90000047  }
0x81: {  	s0 =	stileid.u32;
	[bflag:$0x2] =	sbarrier.arrive $0xFFFF  }
0x82: {  	p0 =	sne.s32 s0, $0x0;
	s0 =	rddreg [dreg:$0x3]  }
0x83: {  	s0 =	sadd.s32 @!p0 $0x100000, s0  }
0x84: {  	[sflag:s0] =	ssyncadd.tile.s32 @!p0 $0x1;
	_ =	shalt  }
.Lfunc_end2:
_tile_overlayer_lowered:
.L_overlay_start_2:
0x85: {  	(tag) =	ssettag $0x2  }
0x86: {  	s0 =	rddreg [dreg:$0x0];
	s2 =	stileid.u32  }
0x87: {  	s1 =	rddreg [dreg:$0x1];
	p0 =	sne.s32 s2, $0x0  }
0x88: {  	s3 =	rddreg [dreg:$0x2];
	[bflag:$0x3] =	sbarrier.arrive $0xFFFF;
	s2 =	simm.s32 @!p0 $0x1C0D  }
0x89: {  	[timem:s3], [sflag:s2] =	dma.local @!p0 [hbm:s0], s1  }
0x8a: {  	s0 =	simm.s32 @!p0 $0xD  }
0x8b: {  	_ =	swait.ge @!p0 [sflag:s0], s1  }
0x8c: {  	s1 =	ssub.s32 @!p0 $0x0, s1;
	[sflag:s0] =	ssyncset.done @!p0 $0x0  }
0x8d: {  	[sflag:s0] =	ssyncadd.s32 @!p0 s1  }
0x8e: {  	[bflag:$0x3] =	sbarrier.arrive $0xFFFF  }
0x8f: {  	_ =	shalt  }

</sc_bundles>
